<compile_context>
chip_gen: v7x
topology: tpu7x:2x2x1
jax: 0.10.2.dev20260603
libtpu: 0.0.44.dev20260713+nightly
codegen_flags: <defaults>
</compile_context>

<pallas_src>
import functools

import jax
import jax.numpy as jnp
from jax import lax
from jax.experimental import pallas as pl
from jax.experimental.pallas import tpu as pltpu
from jax.experimental.pallas import tpu_sc as plsc

_NC = 2
_NS = 16
_NW = _NC * _NS
_BD = 40


def _pad_rows(n):
    wb = (-(-n // _NS) + 7) // 8 * 8
    return wb, _NS * wb


def _sc_degree(col, zeros, n, e_pad):
    per = e_pad // _NW
    nbw = per // _BD
    wb, n_pad = _pad_rows(n)
    mesh = plsc.VectorSubcoreMesh(core_axis_name="c", subcore_axis_name="s")

    @functools.partial(
        pl.kernel,
        mesh=mesh,
        out_type=jax.ShapeDtypeStruct((_NC * n_pad, 128), jnp.float32),
        scratch_types=[
            pltpu.VMEM((_BD,), jnp.int32),
            pltpu.VMEM((_BD, 128), jnp.float32),
            pltpu.VMEM_SHARED((n_pad, 128), jnp.float32),
        ],
    )
    def deg_kernel(col_hbm, zeros_hbm, out_hbm, cidx, ones_v, acc):
        c = lax.axis_index("c")
        s = lax.axis_index("s")
        wid = s * _NC + c
        off = s * wb

        def fill_ones(i, carry):
            ones_v[i // 8, pl.ds((i % 8) * 16, 16)] = jnp.ones((16,), jnp.float32)
            return carry

        lax.fori_loop(0, _BD * 8, fill_ones, 0)
        pltpu.sync_copy(zeros_hbm.at[pl.ds(0, wb)], acc.at[pl.ds(off, wb)])
        plsc.subcore_barrier()

        def step(j, carry):
            base = wid * per + j * _BD
            pltpu.sync_copy(col_hbm.at[pl.ds(base, _BD)], cidx)
            pltpu.sync_copy(ones_v, acc.at[cidx], add=True)
            return carry

        lax.fori_loop(0, nbw, step, 0)
        plsc.subcore_barrier()
        pltpu.sync_copy(acc.at[pl.ds(off, wb)],
                        out_hbm.at[pl.ds(c * n_pad + off, wb)])

    return deg_kernel(col, zeros).reshape(_NC, n_pad, 128)


def _sc_scatter(y, row, col, zeros, n, e_pad):
    d = y.shape[1]
    per = e_pad // _NW
    nbw = per // _BD
    wb, n_pad = _pad_rows(n)
    mesh = plsc.VectorSubcoreMesh(core_axis_name="c", subcore_axis_name="s")

    @functools.partial(
        pl.kernel,
        mesh=mesh,
        out_type=jax.ShapeDtypeStruct((_NC * n_pad, d), jnp.float32),
        scratch_types=[
            pltpu.VMEM((_BD,), jnp.int32),
            pltpu.VMEM((_BD,), jnp.int32),
            pltpu.VMEM((_BD,), jnp.int32),
            pltpu.VMEM((_BD,), jnp.int32),
            pltpu.VMEM((_BD, d), jnp.float32),
            pltpu.VMEM((_BD, d), jnp.float32),
            pltpu.VMEM_SHARED((n_pad, d), jnp.float32),
            pltpu.SemaphoreType.DMA,
            pltpu.SemaphoreType.DMA,
        ],
    )
    def scat_kernel(y_hbm, row_hbm, col_hbm, zeros_hbm, out_hbm,
                    ridx_a, cidx_a, ridx_b, cidx_b, rows_a, rows_b,
                    acc, sem_a, sem_b):
        c = lax.axis_index("c")
        s = lax.axis_index("s")
        wid = s * _NC + c
        off = s * wb
        base0 = wid * per

        pltpu.sync_copy(zeros_hbm.at[pl.ds(0, wb)], acc.at[pl.ds(off, wb)])
        plsc.subcore_barrier()

        pltpu.sync_copy(row_hbm.at[pl.ds(base0, _BD)], ridx_a)
        pltpu.sync_copy(col_hbm.at[pl.ds(base0, _BD)], cidx_a)
        pltpu.async_copy(y_hbm.at[ridx_a], rows_a, sem_a)

        def step(i, carry):
            j = 2 * i
            pltpu.sync_copy(row_hbm.at[pl.ds(base0 + (j + 1) * _BD, _BD)], ridx_b)
            pltpu.sync_copy(col_hbm.at[pl.ds(base0 + (j + 1) * _BD, _BD)], cidx_b)
            pltpu.async_copy(y_hbm.at[ridx_b], rows_b, sem_b)
            pltpu.make_async_copy(y_hbm.at[ridx_a], rows_a, sem_a).wait()
            pltpu.sync_copy(rows_a, acc.at[cidx_a], add=True)
            pltpu.sync_copy(row_hbm.at[pl.ds(base0 + (j + 2) * _BD, _BD)], ridx_a)
            pltpu.sync_copy(col_hbm.at[pl.ds(base0 + (j + 2) * _BD, _BD)], cidx_a)
            pltpu.async_copy(y_hbm.at[ridx_a], rows_a, sem_a)
            pltpu.make_async_copy(y_hbm.at[ridx_b], rows_b, sem_b).wait()
            pltpu.sync_copy(rows_b, acc.at[cidx_b], add=True)
            return carry

        lax.fori_loop(0, nbw // 2, step, 0)
        pltpu.make_async_copy(y_hbm.at[ridx_a], rows_a, sem_a).wait()
        plsc.subcore_barrier()
        pltpu.sync_copy(acc.at[pl.ds(off, wb)],
                        out_hbm.at[pl.ds(c * n_pad + off, wb)])

    return scat_kernel(y, row, col, zeros).reshape(_NC, n_pad, d)


def _dinv_block(deg_ref):
    deg = deg_ref[0][:, :1] + deg_ref[1][:, :1] + 2.0
    return jnp.where(deg > 0, lax.rsqrt(deg), 0.0)


def _tc_first(x, w, degp):
    n, din = x.shape
    dh = w.shape[1]
    bm = 1000

    def body(x_ref, w_ref, deg_ref, y_ref):
        dinv = _dinv_block(deg_ref)
        y_ref[...] = dinv * jnp.dot(x_ref[...], w_ref[...],
                                    preferred_element_type=jnp.float32)

    return pl.pallas_call(
        body,
        grid=(n // bm,),
        in_specs=[
            pl.BlockSpec((bm, din), lambda i: (i, 0)),
            pl.BlockSpec((din, dh), lambda i: (0, 0)),
            pl.BlockSpec((2, bm, 128), lambda i: (0, i, 0)),
        ],
        out_specs=pl.BlockSpec((bm, dh), lambda i: (i, 0)),
        out_shape=jax.ShapeDtypeStruct((n, dh), jnp.float32),
    )(x, w, degp)


def _tc_mid(sp, y, degp, b, w):
    n, dh = y.shape
    bm = 1000

    def body(s_ref, y_ref, deg_ref, b_ref, w_ref, o_ref):
        dinv = _dinv_block(deg_ref)
        h = jnp.maximum(
            dinv * (s_ref[0] + s_ref[1] + 2.0 * y_ref[...]) + b_ref[...], 0.0)
        o_ref[...] = dinv * jnp.dot(h, w_ref[...],
                                    preferred_element_type=jnp.float32)

    return pl.pallas_call(
        body,
        grid=(n // bm,),
        in_specs=[
            pl.BlockSpec((2, bm, dh), lambda i: (0, i, 0)),
            pl.BlockSpec((bm, dh), lambda i: (i, 0)),
            pl.BlockSpec((2, bm, 128), lambda i: (0, i, 0)),
            pl.BlockSpec((1, dh), lambda i: (0, 0)),
            pl.BlockSpec((dh, dh), lambda i: (0, 0)),
        ],
        out_specs=pl.BlockSpec((bm, dh), lambda i: (i, 0)),
        out_shape=jax.ShapeDtypeStruct((n, dh), jnp.float32),
    )(sp, y, degp, b, w)


def _tc_final(sp, y, degp, b, lin_w, lin_b):
    n, dh = y.shape
    bm = 1000

    def body(s_ref, y_ref, deg_ref, b_ref, lw_ref, lb_ref, o_ref):
        dinv = _dinv_block(deg_ref)
        h = jnp.maximum(
            dinv * (s_ref[0] + s_ref[1] + 2.0 * y_ref[...]) + b_ref[...], 0.0)
        z = jnp.dot(h, lw_ref[...], preferred_element_type=jnp.float32)
        o_ref[...] = jax.nn.sigmoid(z + lb_ref[0, 0])

    return pl.pallas_call(
        body,
        grid=(n // bm,),
        in_specs=[
            pl.BlockSpec((2, bm, dh), lambda i: (0, i, 0)),
            pl.BlockSpec((bm, dh), lambda i: (i, 0)),
            pl.BlockSpec((2, bm, 128), lambda i: (0, i, 0)),
            pl.BlockSpec((1, dh), lambda i: (0, 0)),
            pl.BlockSpec((dh, 1), lambda i: (0, 0)),
            pl.BlockSpec((1, 1), lambda i: (0, 0)),
        ],
        out_specs=pl.BlockSpec((bm, 1), lambda i: (i, 0)),
        out_shape=jax.ShapeDtypeStruct((n, 1), jnp.float32),
    )(sp, y, degp, b, lin_w, lin_b)


def kernel(x, edge_index, W1, b1, W2, b2, W3, b3, lin_W, lin_b):
    n = x.shape[0]
    row = edge_index[0].astype(jnp.int32)
    col = edge_index[1].astype(jnp.int32)
    wb, n_pad = _pad_rows(n)
    zeros = jnp.zeros((wb, 128), jnp.float32)

    e = row.shape[0]
    chunk = _NW * 2 * _BD
    e_pad = -(-e // chunk) * chunk
    npad_e = e_pad - e + _BD
    row = jnp.concatenate([row, jnp.zeros((npad_e,), jnp.int32)])
    col = jnp.concatenate([col, jnp.full((npad_e,), n_pad - 1, jnp.int32)])

    degp = _sc_degree(col, zeros, n, e_pad)
    y1 = _tc_first(x, W1, degp)
    s1 = _sc_scatter(y1, row, col, zeros, n, e_pad)
    y2 = _tc_mid(s1, y1, degp, b1.reshape(1, -1), W2)
    s2 = _sc_scatter(y2, row, col, zeros, n, e_pad)
    y3 = _tc_mid(s2, y2, degp, b2.reshape(1, -1), W3)
    s3 = _sc_scatter(y3, row, col, zeros, n, e_pad)
    return _tc_final(s3, y3, degp, b3.reshape(1, -1), lin_W,
                     lin_b.reshape(1, 1))

# --- scband reference (transcript-rebuilt; emitter-appended) ---
"""Pipeline reference for scband-node-net-42838003810870 (READ-ONLY COPY).

The authoritative reference and input builder live on the scoring server;
editing this copy changes nothing except your own understanding.
"""

import jax, jax.numpy as jnp
import numpy as np

N = 10000
E = 160000
DIN = 256
DH = 128


def setup_inputs(seed: int = 0) -> dict:
    key = jax.random.key(seed)
    ks = jax.random.split(key, 10)
    x = jax.random.normal(ks[0], (N, DIN), dtype=jnp.float32)
    edge_index = jax.random.randint(ks[1], (2, E), 0, N)
    W1 = jax.random.normal(ks[2], (DIN, DH), dtype=jnp.float32) * 0.05
    b1 = jnp.zeros((DH,), dtype=jnp.float32)
    W2 = jax.random.normal(ks[3], (DH, DH), dtype=jnp.float32) * 0.05
    b2 = jnp.zeros((DH,), dtype=jnp.float32)
    W3 = jax.random.normal(ks[4], (DH, DH), dtype=jnp.float32) * 0.05
    b3 = jnp.zeros((DH,), dtype=jnp.float32)
    lin_W = jax.random.normal(ks[5], (DH, 1), dtype=jnp.float32) * 0.05
    lin_b = jnp.zeros((1,), dtype=jnp.float32)
    return {"x": x, "edge_index": edge_index, "W1": W1, "b1": b1, "W2": W2, "b2": b2, "W3": W3, "b3": b3, "lin_W": lin_W, "lin_b": lin_b}


def gcn_conv(x, edge_index, W, b):
    # GCNConv with improved=True: A_hat = A + 2I, sym-normalized
    n = x.shape[0]
    row = edge_index[0]
    col = edge_index[1]
    loop = jnp.arange(n, dtype=row.dtype)
    row2 = jnp.concatenate([row, loop])
    col2 = jnp.concatenate([col, loop])
    ew = jnp.concatenate([jnp.ones((row.shape[0],), dtype=jnp.float32), 2.0 * jnp.ones((n,), dtype=jnp.float32)])
    deg = jnp.zeros((n,), dtype=jnp.float32).at[col2].add(ew)
    dinv = jnp.where(deg > 0, deg ** -0.5, 0.0)
    norm = dinv[row2] * ew * dinv[col2]
    xw = x @ W
    msg = xw[row2] * norm[:, None]
    out = jnp.zeros((n, xw.shape[1]), dtype=jnp.float32).at[col2].add(msg)
    return out + b


def reference(x, edge_index, W1, b1, W2, b2, W3, b3, lin_W, lin_b):
    # eval mode: dropout is identity
    h = jax.nn.relu(gcn_conv(x, edge_index, W1, b1))
    h = jax.nn.relu(gcn_conv(h, edge_index, W2, b2))
    h = jax.nn.relu(gcn_conv(h, edge_index, W3, b3))
    h = h @ lin_W + lin_b
    return jax.nn.sigmoid(h)

if __name__ == "__main__":
    import jax
    _d = setup_inputs()
    print(jax.jit(kernel)(*tuple(_d.values())))

</pallas_src>

<mosaic_0001>
#map = affine_map<(d0, d1) -> (0, 0)>
#map1 = affine_map<(d0, d1) -> (0)>
module attributes {stable_mosaic.version = 14 : i64} {
  func.func @scat_kernel(%arg0: i32, %arg1: i32, %arg2: memref<10000x128xf32, #tpu.memory_space<hbm>>, %arg3: memref<161320xi32, #tpu.memory_space<hbm>>, %arg4: memref<161320xi32, #tpu.memory_space<hbm>>, %arg5: memref<632x128xf32, #tpu.memory_space<hbm>>, %arg6: memref<20224x128xf32, #tpu.memory_space<hbm>>, %arg7: memref<40xi32, #tpu.memory_space<vmem>>, %arg8: memref<40xi32, #tpu.memory_space<vmem>>, %arg9: memref<40xi32, #tpu.memory_space<vmem>>, %arg10: memref<40xi32, #tpu.memory_space<vmem>>, %arg11: memref<40x128xf32, #tpu.memory_space<vmem>>, %arg12: memref<40x128xf32, #tpu.memory_space<vmem>>, %arg13: memref<10112x128xf32, #tpu.memory_space<vmem_shared>>, %arg14: memref<!tpu.dma_semaphore, #tpu.memory_space<semaphore_mem>>, %arg15: memref<!tpu.dma_semaphore, #tpu.memory_space<semaphore_mem>>) attributes {dimension_semantics = [#tpu.dimension_semantics<core_parallel>, #tpu.dimension_semantics<subcore_parallel>], iteration_bounds = array<i64: 2, 16>, scalar_prefetch = 0 : i64, scratch_operands = 9 : i64, tpu.core_type = #tpu.core_type<sc_vector_subcore>, window_params = [{transform_indices = #map}, {transform_indices = #map1}, {transform_indices = #map1}, {transform_indices = #map}, {transform_indices = #map}]} {
    %mul3A = arith.constant 2 : i32
    %mul3A_0 = arith.muli %arg1, %mul3A : i32
    %add3A = arith.addi %mul3A_0, %arg0 : i32
    %mul3A_1 = arith.constant 632 : i32
    %mul3A_2 = arith.muli %arg1, %mul3A_1 : i32
    %mul3A_3 = arith.constant 5040 : i32
    %mul3A_4 = arith.muli %add3A, %mul3A_3 : i32
    "tpu.region"() ({
      %run_scoped3A = tpu.sem_alloc : memref<!tpu.dma_semaphore, #tpu.memory_space<semaphore_mem>>
      %dma_start3A_18 = arith.constant 0 : i32
      %dma_start3A_19 = tpu.memref_slice %arg13[%mul3A_2, %dma_start3A_18] : memref<10112x128xf32, #tpu.memory_space<vmem_shared>> -> memref<632x128xf32, #tpu.memory_space<vmem_shared>>
      %dma_start3A_20 = arith.constant 0 : i32
      %dma_start3A_21 = arith.constant 0 : i32
      %dma_start3A_22 = tpu.memref_slice %arg5[%dma_start3A_20, %dma_start3A_21] : memref<632x128xf32, #tpu.memory_space<hbm>> -> memref<632x128xf32, #tpu.memory_space<hbm>>
      tpu.enqueue_dma source(%dma_start3A_22 : memref<632x128xf32, #tpu.memory_space<hbm>>) target(%dma_start3A_19 : memref<632x128xf32, #tpu.memory_space<vmem_shared>>) target_semaphore(%run_scoped3A : memref<!tpu.dma_semaphore, #tpu.memory_space<semaphore_mem>>)
      %dma_wait3A_23 = arith.constant 0 : i32
      %dma_wait3A_24 = tpu.memref_slice %arg13[%mul3A_2, %dma_wait3A_23] : memref<10112x128xf32, #tpu.memory_space<vmem_shared>> -> memref<632x128xf32, #tpu.memory_space<vmem_shared>>
      %dma_wait3A_25 = arith.constant 0 : i32
      %dma_wait3A_26 = arith.constant 0 : i32
      %dma_wait3A_27 = tpu.memref_slice %arg5[%dma_wait3A_25, %dma_wait3A_26] : memref<632x128xf32, #tpu.memory_space<hbm>> -> memref<632x128xf32, #tpu.memory_space<hbm>>
      tpu.wait_dma2 semaphore(%run_scoped3A : memref<!tpu.dma_semaphore, #tpu.memory_space<semaphore_mem>>) src(%dma_wait3A_27 : memref<632x128xf32, #tpu.memory_space<hbm>>) dst(%dma_wait3A_24 : memref<632x128xf32, #tpu.memory_space<vmem_shared>>)
      tpu.yield
    }) : () -> ()
    %barrier3A = arith.constant 0 : index
    tpu.barrier barrier_id(%barrier3A)
    "tpu.region"() ({
      %run_scoped3A = tpu.sem_alloc : memref<!tpu.dma_semaphore, #tpu.memory_space<semaphore_mem>>
      %dma_start3A_18 = tpu.memref_slice %arg3[%mul3A_4] : memref<161320xi32, #tpu.memory_space<hbm>> -> memref<40xi32, #tpu.memory_space<hbm>>
      %dma_start3A_19 = tpu.memref_slice %arg3[%mul3A_4] : memref<161320xi32, #tpu.memory_space<hbm>> -> memref<40xi32, #tpu.memory_space<hbm>>
      tpu.enqueue_dma source(%dma_start3A_19 : memref<40xi32, #tpu.memory_space<hbm>>) target(%arg7 : memref<40xi32, #tpu.memory_space<vmem>>) target_semaphore(%run_scoped3A : memref<!tpu.dma_semaphore, #tpu.memory_space<semaphore_mem>>)
      %dma_wait3A_20 = tpu.memref_slice %arg3[%mul3A_4] : memref<161320xi32, #tpu.memory_space<hbm>> -> memref<40xi32, #tpu.memory_space<hbm>>
      %dma_wait3A_21 = tpu.memref_slice %arg3[%mul3A_4] : memref<161320xi32, #tpu.memory_space<hbm>> -> memref<40xi32, #tpu.memory_space<hbm>>
      tpu.wait_dma2 semaphore(%run_scoped3A : memref<!tpu.dma_semaphore, #tpu.memory_space<semaphore_mem>>) src(%dma_wait3A_21 : memref<40xi32, #tpu.memory_space<hbm>>) dst(%arg7 : memref<40xi32, #tpu.memory_space<vmem>>)
      tpu.yield
    }) : () -> ()
    "tpu.region"() ({
      %run_scoped3A = tpu.sem_alloc : memref<!tpu.dma_semaphore, #tpu.memory_space<semaphore_mem>>
      %dma_start3A_18 = tpu.memref_slice %arg4[%mul3A_4] : memref<161320xi32, #tpu.memory_space<hbm>> -> memref<40xi32, #tpu.memory_space<hbm>>
      %dma_start3A_19 = tpu.memref_slice %arg4[%mul3A_4] : memref<161320xi32, #tpu.memory_space<hbm>> -> memref<40xi32, #tpu.memory_space<hbm>>
      tpu.enqueue_dma source(%dma_start3A_19 : memref<40xi32, #tpu.memory_space<hbm>>) target(%arg8 : memref<40xi32, #tpu.memory_space<vmem>>) target_semaphore(%run_scoped3A : memref<!tpu.dma_semaphore, #tpu.memory_space<semaphore_mem>>)
      %dma_wait3A_20 = tpu.memref_slice %arg4[%mul3A_4] : memref<161320xi32, #tpu.memory_space<hbm>> -> memref<40xi32, #tpu.memory_space<hbm>>
      %dma_wait3A_21 = tpu.memref_slice %arg4[%mul3A_4] : memref<161320xi32, #tpu.memory_space<hbm>> -> memref<40xi32, #tpu.memory_space<hbm>>
      tpu.wait_dma2 semaphore(%run_scoped3A : memref<!tpu.dma_semaphore, #tpu.memory_space<semaphore_mem>>) src(%dma_wait3A_21 : memref<40xi32, #tpu.memory_space<hbm>>) dst(%arg8 : memref<40xi32, #tpu.memory_space<vmem>>)
      tpu.yield
    }) : () -> ()
    %dma_start3A = arith.constant 0 : i32
    %dma_start3A_5 = arith.constant 0 : i32
    %dma_start3A_6 = tpu.memref_slice %arg2[%dma_start3A, %dma_start3A_5] : memref<10000x128xf32, #tpu.memory_space<hbm>> -> memref<10000x128xf32, #tpu.memory_space<hbm>>
    tpu.enqueue_indirect_dma source(%dma_start3A_6 : memref<10000x128xf32, #tpu.memory_space<hbm>>) target(%arg11 : memref<40x128xf32, #tpu.memory_space<vmem>>) offsets(%arg7 : memref<40xi32, #tpu.memory_space<vmem>>) semaphore(%arg14 : memref<!tpu.dma_semaphore, #tpu.memory_space<semaphore_mem>>)
    %scan3A = arith.constant 0 : i32
    %scan3A_7 = arith.constant 0 : i32
    %scan3A_8 = arith.constant 63 : i32
    %scan3A_9 = arith.addi %scan3A_7, %scan3A_8 : i32
    %scan3A_10 = arith.constant 1 : i32
    scf.for %scan3A_18 = %scan3A_7 to %scan3A_9 step %scan3A_10  : i32 {
      %mul3A_19 = arith.constant 2 : i32
      %mul3A_20 = arith.muli %mul3A_19, %scan3A_18 : i32
      %add3A_21 = arith.constant 1 : i32
      %add3A_22 = arith.addi %mul3A_20, %add3A_21 : i32
      %mul3A_23 = arith.constant 40 : i32
      %mul3A_24 = arith.muli %add3A_22, %mul3A_23 : i32
      %add3A_25 = arith.addi %mul3A_4, %mul3A_24 : i32
      "tpu.region"() ({
        %run_scoped3A = tpu.sem_alloc : memref<!tpu.dma_semaphore, #tpu.memory_space<semaphore_mem>>
        %dma_start3A_53 = tpu.memref_slice %arg3[%add3A_25] : memref<161320xi32, #tpu.memory_space<hbm>> -> memref<40xi32, #tpu.memory_space<hbm>>
        %dma_start3A_54 = tpu.memref_slice %arg3[%add3A_25] : memref<161320xi32, #tpu.memory_space<hbm>> -> memref<40xi32, #tpu.memory_space<hbm>>
        tpu.enqueue_dma source(%dma_start3A_54 : memref<40xi32, #tpu.memory_space<hbm>>) target(%arg9 : memref<40xi32, #tpu.memory_space<vmem>>) target_semaphore(%run_scoped3A : memref<!tpu.dma_semaphore, #tpu.memory_space<semaphore_mem>>)
        %dma_wait3A_55 = tpu.memref_slice %arg3[%add3A_25] : memref<161320xi32, #tpu.memory_space<hbm>> -> memref<40xi32, #tpu.memory_space<hbm>>
        %dma_wait3A_56 = tpu.memref_slice %arg3[%add3A_25] : memref<161320xi32, #tpu.memory_space<hbm>> -> memref<40xi32, #tpu.memory_space<hbm>>
        tpu.wait_dma2 semaphore(%run_scoped3A : memref<!tpu.dma_semaphore, #tpu.memory_space<semaphore_mem>>) src(%dma_wait3A_56 : memref<40xi32, #tpu.memory_space<hbm>>) dst(%arg9 : memref<40xi32, #tpu.memory_space<vmem>>)
        tpu.yield
      }) : () -> ()
      %add3A_26 = arith.constant 1 : i32
      %add3A_27 = arith.addi %mul3A_20, %add3A_26 : i32
      %mul3A_28 = arith.constant 40 : i32
      %mul3A_29 = arith.muli %add3A_27, %mul3A_28 : i32
      %add3A_30 = arith.addi %mul3A_4, %mul3A_29 : i32
      "tpu.region"() ({
        %run_scoped3A = tpu.sem_alloc : memref<!tpu.dma_semaphore, #tpu.memory_space<semaphore_mem>>
        %dma_start3A_53 = tpu.memref_slice %arg4[%add3A_30] : memref<161320xi32, #tpu.memory_space<hbm>> -> memref<40xi32, #tpu.memory_space<hbm>>
        %dma_start3A_54 = tpu.memref_slice %arg4[%add3A_30] : memref<161320xi32, #tpu.memory_space<hbm>> -> memref<40xi32, #tpu.memory_space<hbm>>
        tpu.enqueue_dma source(%dma_start3A_54 : memref<40xi32, #tpu.memory_space<hbm>>) target(%arg10 : memref<40xi32, #tpu.memory_space<vmem>>) target_semaphore(%run_scoped3A : memref<!tpu.dma_semaphore, #tpu.memory_space<semaphore_mem>>)
        %dma_wait3A_55 = tpu.memref_slice %arg4[%add3A_30] : memref<161320xi32, #tpu.memory_space<hbm>> -> memref<40xi32, #tpu.memory_space<hbm>>
        %dma_wait3A_56 = tpu.memref_slice %arg4[%add3A_30] : memref<161320xi32, #tpu.memory_space<hbm>> -> memref<40xi32, #tpu.memory_space<hbm>>
        tpu.wait_dma2 semaphore(%run_scoped3A : memref<!tpu.dma_semaphore, #tpu.memory_space<semaphore_mem>>) src(%dma_wait3A_56 : memref<40xi32, #tpu.memory_space<hbm>>) dst(%arg10 : memref<40xi32, #tpu.memory_space<vmem>>)
        tpu.yield
      }) : () -> ()
      %dma_start3A_31 = arith.constant 0 : i32
      %dma_start3A_32 = arith.constant 0 : i32
      %dma_start3A_33 = tpu.memref_slice %arg2[%dma_start3A_31, %dma_start3A_32] : memref<10000x128xf32, #tpu.memory_space<hbm>> -> memref<10000x128xf32, #tpu.memory_space<hbm>>
      tpu.enqueue_indirect_dma source(%dma_start3A_33 : memref<10000x128xf32, #tpu.memory_space<hbm>>) target(%arg12 : memref<40x128xf32, #tpu.memory_space<vmem>>) offsets(%arg9 : memref<40xi32, #tpu.memory_space<vmem>>) semaphore(%arg15 : memref<!tpu.dma_semaphore, #tpu.memory_space<semaphore_mem>>)
      %dma_wait3A_34 = arith.constant 0 : i32
      %dma_wait3A_35 = arith.constant 0 : i32
      %dma_wait3A_36 = tpu.memref_slice %arg2[%dma_wait3A_34, %dma_wait3A_35] : memref<10000x128xf32, #tpu.memory_space<hbm>> -> memref<10000x128xf32, #tpu.memory_space<hbm>>
      tpu.wait_indirect_dma semaphore(%arg14 : memref<!tpu.dma_semaphore, #tpu.memory_space<semaphore_mem>>) src(%dma_wait3A_36 : memref<10000x128xf32, #tpu.memory_space<hbm>>) dst(%arg11 : memref<40x128xf32, #tpu.memory_space<vmem>>)
      "tpu.region"() ({
        %run_scoped3A = tpu.sem_alloc : memref<!tpu.dma_semaphore, #tpu.memory_space<semaphore_mem>>
        %dma_start3A_53 = arith.constant 0 : i32
        %dma_start3A_54 = arith.constant 0 : i32
        %dma_start3A_55 = tpu.memref_slice %arg13[%dma_start3A_53, %dma_start3A_54] : memref<10112x128xf32, #tpu.memory_space<vmem_shared>> -> memref<10112x128xf32, #tpu.memory_space<vmem_shared>>
        tpu.enqueue_indirect_dma source(%arg11 : memref<40x128xf32, #tpu.memory_space<vmem>>) target(%dma_start3A_55 : memref<10112x128xf32, #tpu.memory_space<vmem_shared>>) offsets(%arg8 : memref<40xi32, #tpu.memory_space<vmem>>) semaphore(%run_scoped3A : memref<!tpu.dma_semaphore, #tpu.memory_space<semaphore_mem>>) {add = true}
        %dma_wait3A_56 = arith.constant 0 : i32
        %dma_wait3A_57 = arith.constant 0 : i32
        %dma_wait3A_58 = tpu.memref_slice %arg13[%dma_wait3A_56, %dma_wait3A_57] : memref<10112x128xf32, #tpu.memory_space<vmem_shared>> -> memref<10112x128xf32, #tpu.memory_space<vmem_shared>>
        tpu.wait_indirect_dma semaphore(%run_scoped3A : memref<!tpu.dma_semaphore, #tpu.memory_space<semaphore_mem>>) src(%arg11 : memref<40x128xf32, #tpu.memory_space<vmem>>) dst(%dma_wait3A_58 : memref<10112x128xf32, #tpu.memory_space<vmem_shared>>)
        tpu.yield
      }) : () -> ()
      %add3A_37 = arith.constant 2 : i32
      %add3A_38 = arith.addi %mul3A_20, %add3A_37 : i32
      %mul3A_39 = arith.constant 40 : i32
      %mul3A_40 = arith.muli %add3A_38, %mul3A_39 : i32
      %add3A_41 = arith.addi %mul3A_4, %mul3A_40 : i32
      "tpu.region"() ({
        %run_scoped3A = tpu.sem_alloc : memref<!tpu.dma_semaphore, #tpu.memory_space<semaphore_mem>>
        %dma_start3A_53 = tpu.memref_slice %arg3[%add3A_41] : memref<161320xi32, #tpu.memory_space<hbm>> -> memref<40xi32, #tpu.memory_space<hbm>>
        %dma_start3A_54 = tpu.memref_slice %arg3[%add3A_41] : memref<161320xi32, #tpu.memory_space<hbm>> -> memref<40xi32, #tpu.memory_space<hbm>>
        tpu.enqueue_dma source(%dma_start3A_54 : memref<40xi32, #tpu.memory_space<hbm>>) target(%arg7 : memref<40xi32, #tpu.memory_space<vmem>>) target_semaphore(%run_scoped3A : memref<!tpu.dma_semaphore, #tpu.memory_space<semaphore_mem>>)
        %dma_wait3A_55 = tpu.memref_slice %arg3[%add3A_41] : memref<161320xi32, #tpu.memory_space<hbm>> -> memref<40xi32, #tpu.memory_space<hbm>>
        %dma_wait3A_56 = tpu.memref_slice %arg3[%add3A_41] : memref<161320xi32, #tpu.memory_space<hbm>> -> memref<40xi32, #tpu.memory_space<hbm>>
        tpu.wait_dma2 semaphore(%run_scoped3A : memref<!tpu.dma_semaphore, #tpu.memory_space<semaphore_mem>>) src(%dma_wait3A_56 : memref<40xi32, #tpu.memory_space<hbm>>) dst(%arg7 : memref<40xi32, #tpu.memory_space<vmem>>)
        tpu.yield
      }) : () -> ()
      %add3A_42 = arith.constant 2 : i32
      %add3A_43 = arith.addi %mul3A_20, %add3A_42 : i32
      %mul3A_44 = arith.constant 40 : i32
      %mul3A_45 = arith.muli %add3A_43, %mul3A_44 : i32
      %add3A_46 = arith.addi %mul3A_4, %mul3A_45 : i32
      "tpu.region"() ({
        %run_scoped3A = tpu.sem_alloc : memref<!tpu.dma_semaphore, #tpu.memory_space<semaphore_mem>>
        %dma_start3A_53 = tpu.memref_slice %arg4[%add3A_46] : memref<161320xi32, #tpu.memory_space<hbm>> -> memref<40xi32, #tpu.memory_space<hbm>>
        %dma_start3A_54 = tpu.memref_slice %arg4[%add3A_46] : memref<161320xi32, #tpu.memory_space<hbm>> -> memref<40xi32, #tpu.memory_space<hbm>>
        tpu.enqueue_dma source(%dma_start3A_54 : memref<40xi32, #tpu.memory_space<hbm>>) target(%arg8 : memref<40xi32, #tpu.memory_space<vmem>>) target_semaphore(%run_scoped3A : memref<!tpu.dma_semaphore, #tpu.memory_space<semaphore_mem>>)
        %dma_wait3A_55 = tpu.memref_slice %arg4[%add3A_46] : memref<161320xi32, #tpu.memory_space<hbm>> -> memref<40xi32, #tpu.memory_space<hbm>>
        %dma_wait3A_56 = tpu.memref_slice %arg4[%add3A_46] : memref<161320xi32, #tpu.memory_space<hbm>> -> memref<40xi32, #tpu.memory_space<hbm>>
        tpu.wait_dma2 semaphore(%run_scoped3A : memref<!tpu.dma_semaphore, #tpu.memory_space<semaphore_mem>>) src(%dma_wait3A_56 : memref<40xi32, #tpu.memory_space<hbm>>) dst(%arg8 : memref<40xi32, #tpu.memory_space<vmem>>)
        tpu.yield
      }) : () -> ()
      %dma_start3A_47 = arith.constant 0 : i32
      %dma_start3A_48 = arith.constant 0 : i32
      %dma_start3A_49 = tpu.memref_slice %arg2[%dma_start3A_47, %dma_start3A_48] : memref<10000x128xf32, #tpu.memory_space<hbm>> -> memref<10000x128xf32, #tpu.memory_space<hbm>>
      tpu.enqueue_indirect_dma source(%dma_start3A_49 : memref<10000x128xf32, #tpu.memory_space<hbm>>) target(%arg11 : memref<40x128xf32, #tpu.memory_space<vmem>>) offsets(%arg7 : memref<40xi32, #tpu.memory_space<vmem>>) semaphore(%arg14 : memref<!tpu.dma_semaphore, #tpu.memory_space<semaphore_mem>>)
      %dma_wait3A_50 = arith.constant 0 : i32
      %dma_wait3A_51 = arith.constant 0 : i32
      %dma_wait3A_52 = tpu.memref_slice %arg2[%dma_wait3A_50, %dma_wait3A_51] : memref<10000x128xf32, #tpu.memory_space<hbm>> -> memref<10000x128xf32, #tpu.memory_space<hbm>>
      tpu.wait_indirect_dma semaphore(%arg15 : memref<!tpu.dma_semaphore, #tpu.memory_space<semaphore_mem>>) src(%dma_wait3A_52 : memref<10000x128xf32, #tpu.memory_space<hbm>>) dst(%arg12 : memref<40x128xf32, #tpu.memory_space<vmem>>)
      "tpu.region"() ({
        %run_scoped3A = tpu.sem_alloc : memref<!tpu.dma_semaphore, #tpu.memory_space<semaphore_mem>>
        %dma_start3A_53 = arith.constant 0 : i32
        %dma_start3A_54 = arith.constant 0 : i32
        %dma_start3A_55 = tpu.memref_slice %arg13[%dma_start3A_53, %dma_start3A_54] : memref<10112x128xf32, #tpu.memory_space<vmem_shared>> -> memref<10112x128xf32, #tpu.memory_space<vmem_shared>>
        tpu.enqueue_indirect_dma source(%arg12 : memref<40x128xf32, #tpu.memory_space<vmem>>) target(%dma_start3A_55 : memref<10112x128xf32, #tpu.memory_space<vmem_shared>>) offsets(%arg10 : memref<40xi32, #tpu.memory_space<vmem>>) semaphore(%run_scoped3A : memref<!tpu.dma_semaphore, #tpu.memory_space<semaphore_mem>>) {add = true}
        %dma_wait3A_56 = arith.constant 0 : i32
        %dma_wait3A_57 = arith.constant 0 : i32
        %dma_wait3A_58 = tpu.memref_slice %arg13[%dma_wait3A_56, %dma_wait3A_57] : memref<10112x128xf32, #tpu.memory_space<vmem_shared>> -> memref<10112x128xf32, #tpu.memory_space<vmem_shared>>
        tpu.wait_indirect_dma semaphore(%run_scoped3A : memref<!tpu.dma_semaphore, #tpu.memory_space<semaphore_mem>>) src(%arg12 : memref<40x128xf32, #tpu.memory_space<vmem>>) dst(%dma_wait3A_58 : memref<10112x128xf32, #tpu.memory_space<vmem_shared>>)
        tpu.yield
      }) : () -> ()
    }
    %scan3A_11 = arith.constant 63 : i32
    %dma_wait3A = arith.constant 0 : i32
    %dma_wait3A_12 = arith.constant 0 : i32
    %dma_wait3A_13 = tpu.memref_slice %arg2[%dma_wait3A, %dma_wait3A_12] : memref<10000x128xf32, #tpu.memory_space<hbm>> -> memref<10000x128xf32, #tpu.memory_space<hbm>>
    tpu.wait_indirect_dma semaphore(%arg14 : memref<!tpu.dma_semaphore, #tpu.memory_space<semaphore_mem>>) src(%dma_wait3A_13 : memref<10000x128xf32, #tpu.memory_space<hbm>>) dst(%arg11 : memref<40x128xf32, #tpu.memory_space<vmem>>)
    %barrier3A_14 = arith.constant 0 : index
    tpu.barrier barrier_id(%barrier3A_14)
    %mul3A_15 = arith.constant 10112 : i32
    %mul3A_16 = arith.muli %arg0, %mul3A_15 : i32
    %add3A_17 = arith.addi %mul3A_16, %mul3A_2 : i32
    "tpu.region"() ({
      %run_scoped3A = tpu.sem_alloc : memref<!tpu.dma_semaphore, #tpu.memory_space<semaphore_mem>>
      %dma_start3A_18 = arith.constant 0 : i32
      %dma_start3A_19 = tpu.memref_slice %arg6[%add3A_17, %dma_start3A_18] : memref<20224x128xf32, #tpu.memory_space<hbm>> -> memref<632x128xf32, #tpu.memory_space<hbm>>
      %dma_start3A_20 = arith.constant 0 : i32
      %dma_start3A_21 = tpu.memref_slice %arg13[%mul3A_2, %dma_start3A_20] : memref<10112x128xf32, #tpu.memory_space<vmem_shared>> -> memref<632x128xf32, #tpu.memory_space<vmem_shared>>
      tpu.enqueue_dma source(%dma_start3A_21 : memref<632x128xf32, #tpu.memory_space<vmem_shared>>) target(%dma_start3A_19 : memref<632x128xf32, #tpu.memory_space<hbm>>) target_semaphore(%run_scoped3A : memref<!tpu.dma_semaphore, #tpu.memory_space<semaphore_mem>>)
      %dma_wait3A_22 = arith.constant 0 : i32
      %dma_wait3A_23 = tpu.memref_slice %arg6[%add3A_17, %dma_wait3A_22] : memref<20224x128xf32, #tpu.memory_space<hbm>> -> memref<632x128xf32, #tpu.memory_space<hbm>>
      %dma_wait3A_24 = arith.constant 0 : i32
      %dma_wait3A_25 = tpu.memref_slice %arg13[%mul3A_2, %dma_wait3A_24] : memref<10112x128xf32, #tpu.memory_space<vmem_shared>> -> memref<632x128xf32, #tpu.memory_space<vmem_shared>>
      tpu.wait_dma2 semaphore(%run_scoped3A : memref<!tpu.dma_semaphore, #tpu.memory_space<semaphore_mem>>) src(%dma_wait3A_25 : memref<632x128xf32, #tpu.memory_space<vmem_shared>>) dst(%dma_wait3A_23 : memref<632x128xf32, #tpu.memory_space<hbm>>)
      tpu.yield
    }) : () -> ()
    return
  }
}

#map = affine_map<(d0, d1) -> (0, 0)>
#map1 = affine_map<(d0, d1) -> (0)>
module attributes {stable_mosaic.version = 14 : i64} {
  func.func @scat_kernel(%arg0: i32, %arg1: i32, %arg2: memref<10000x128xf32, #tpu.memory_space<hbm>>, %arg3: memref<161320xi32, #tpu.memory_space<hbm>>, %arg4: memref<161320xi32, #tpu.memory_space<hbm>>, %arg5: memref<632x128xf32, #tpu.memory_space<hbm>>, %arg6: memref<20224x128xf32, #tpu.memory_space<hbm>>, %arg7: memref<40xi32, #tpu.memory_space<vmem>>, %arg8: memref<40xi32, #tpu.memory_space<vmem>>, %arg9: memref<40xi32, #tpu.memory_space<vmem>>, %arg10: memref<40xi32, #tpu.memory_space<vmem>>, %arg11: memref<40x128xf32, #tpu.memory_space<vmem>>, %arg12: memref<40x128xf32, #tpu.memory_space<vmem>>, %arg13: memref<10112x128xf32, #tpu.memory_space<vmem_shared>>, %arg14: memref<!tpu.dma_semaphore, #tpu.memory_space<semaphore_mem>>, %arg15: memref<!tpu.dma_semaphore, #tpu.memory_space<semaphore_mem>>) attributes {dimension_semantics = [#tpu.dimension_semantics<core_parallel>, #tpu.dimension_semantics<subcore_parallel>], iteration_bounds = array<i64: 2, 16>, scalar_prefetch = 0 : i64, scratch_operands = 9 : i64, tpu.core_type = #tpu.core_type<sc_vector_subcore>, window_params = [{transform_indices = #map}, {transform_indices = #map1}, {transform_indices = #map1}, {transform_indices = #map}, {transform_indices = #map}]} {
    %mul3A = arith.constant 2 : i32
    %mul3A_0 = arith.muli %arg1, %mul3A : i32
    %add3A = arith.addi %mul3A_0, %arg0 : i32
    %mul3A_1 = arith.constant 632 : i32
    %mul3A_2 = arith.muli %arg1, %mul3A_1 : i32
    %mul3A_3 = arith.constant 5040 : i32
    %mul3A_4 = arith.muli %add3A, %mul3A_3 : i32
    "tpu.region"() ({
      %run_scoped3A = tpu.sem_alloc : memref<!tpu.dma_semaphore, #tpu.memory_space<semaphore_mem>>
      %dma_start3A_18 = arith.constant 0 : i32
      %dma_start3A_19 = tpu.memref_slice %arg13[%mul3A_2, %dma_start3A_18] : memref<10112x128xf32, #tpu.memory_space<vmem_shared>> -> memref<632x128xf32, #tpu.memory_space<vmem_shared>>
      %dma_start3A_20 = arith.constant 0 : i32
      %dma_start3A_21 = arith.constant 0 : i32
      %dma_start3A_22 = tpu.memref_slice %arg5[%dma_start3A_20, %dma_start3A_21] : memref<632x128xf32, #tpu.memory_space<hbm>> -> memref<632x128xf32, #tpu.memory_space<hbm>>
      tpu.enqueue_dma source(%dma_start3A_22 : memref<632x128xf32, #tpu.memory_space<hbm>>) target(%dma_start3A_19 : memref<632x128xf32, #tpu.memory_space<vmem_shared>>) target_semaphore(%run_scoped3A : memref<!tpu.dma_semaphore, #tpu.memory_space<semaphore_mem>>)
      %dma_wait3A_23 = arith.constant 0 : i32
      %dma_wait3A_24 = tpu.memref_slice %arg13[%mul3A_2, %dma_wait3A_23] : memref<10112x128xf32, #tpu.memory_space<vmem_shared>> -> memref<632x128xf32, #tpu.memory_space<vmem_shared>>
      %dma_wait3A_25 = arith.constant 0 : i32
      %dma_wait3A_26 = arith.constant 0 : i32
      %dma_wait3A_27 = tpu.memref_slice %arg5[%dma_wait3A_25, %dma_wait3A_26] : memref<632x128xf32, #tpu.memory_space<hbm>> -> memref<632x128xf32, #tpu.memory_space<hbm>>
      tpu.wait_dma2 semaphore(%run_scoped3A : memref<!tpu.dma_semaphore, #tpu.memory_space<semaphore_mem>>) src(%dma_wait3A_27 : memref<632x128xf32, #tpu.memory_space<hbm>>) dst(%dma_wait3A_24 : memref<632x128xf32, #tpu.memory_space<vmem_shared>>)
      tpu.yield
    }) : () -> ()
    %barrier3A = arith.constant 0 : index
    tpu.barrier barrier_id(%barrier3A)
    "tpu.region"() ({
      %run_scoped3A = tpu.sem_alloc : memref<!tpu.dma_semaphore, #tpu.memory_space<semaphore_mem>>
      %dma_start3A_18 = tpu.memref_slice %arg3[%mul3A_4] : memref<161320xi32, #tpu.memory_space<hbm>> -> memref<40xi32, #tpu.memory_space<hbm>>
      %dma_start3A_19 = tpu.memref_slice %arg3[%mul3A_4] : memref<161320xi32, #tpu.memory_space<hbm>> -> memref<40xi32, #tpu.memory_space<hbm>>
      tpu.enqueue_dma source(%dma_start3A_19 : memref<40xi32, #tpu.memory_space<hbm>>) target(%arg7 : memref<40xi32, #tpu.memory_space<vmem>>) target_semaphore(%run_scoped3A : memref<!tpu.dma_semaphore, #tpu.memory_space<semaphore_mem>>)
      %dma_wait3A_20 = tpu.memref_slice %arg3[%mul3A_4] : memref<161320xi32, #tpu.memory_space<hbm>> -> memref<40xi32, #tpu.memory_space<hbm>>
      %dma_wait3A_21 = tpu.memref_slice %arg3[%mul3A_4] : memref<161320xi32, #tpu.memory_space<hbm>> -> memref<40xi32, #tpu.memory_space<hbm>>
      tpu.wait_dma2 semaphore(%run_scoped3A : memref<!tpu.dma_semaphore, #tpu.memory_space<semaphore_mem>>) src(%dma_wait3A_21 : memref<40xi32, #tpu.memory_space<hbm>>) dst(%arg7 : memref<40xi32, #tpu.memory_space<vmem>>)
      tpu.yield
    }) : () -> ()
    "tpu.region"() ({
      %run_scoped3A = tpu.sem_alloc : memref<!tpu.dma_semaphore, #tpu.memory_space<semaphore_mem>>
      %dma_start3A_18 = tpu.memref_slice %arg4[%mul3A_4] : memref<161320xi32, #tpu.memory_space<hbm>> -> memref<40xi32, #tpu.memory_space<hbm>>
      %dma_start3A_19 = tpu.memref_slice %arg4[%mul3A_4] : memref<161320xi32, #tpu.memory_space<hbm>> -> memref<40xi32, #tpu.memory_space<hbm>>
      tpu.enqueue_dma source(%dma_start3A_19 : memref<40xi32, #tpu.memory_space<hbm>>) target(%arg8 : memref<40xi32, #tpu.memory_space<vmem>>) target_semaphore(%run_scoped3A : memref<!tpu.dma_semaphore, #tpu.memory_space<semaphore_mem>>)
      %dma_wait3A_20 = tpu.memref_slice %arg4[%mul3A_4] : memref<161320xi32, #tpu.memory_space<hbm>> -> memref<40xi32, #tpu.memory_space<hbm>>
      %dma_wait3A_21 = tpu.memref_slice %arg4[%mul3A_4] : memref<161320xi32, #tpu.memory_space<hbm>> -> memref<40xi32, #tpu.memory_space<hbm>>
      tpu.wait_dma2 semaphore(%run_scoped3A : memref<!tpu.dma_semaphore, #tpu.memory_space<semaphore_mem>>) src(%dma_wait3A_21 : memref<40xi32, #tpu.memory_space<hbm>>) dst(%arg8 : memref<40xi32, #tpu.memory_space<vmem>>)
      tpu.yield
    }) : () -> ()
    %dma_start3A = arith.constant 0 : i32
    %dma_start3A_5 = arith.constant 0 : i32
    %dma_start3A_6 = tpu.memref_slice %arg2[%dma_start3A, %dma_start3A_5] : memref<10000x128xf32, #tpu.memory_space<hbm>> -> memref<10000x128xf32, #tpu.memory_space<hbm>>
    tpu.enqueue_indirect_dma source(%dma_start3A_6 : memref<10000x128xf32, #tpu.memory_space<hbm>>) target(%arg11 : memref<40x128xf32, #tpu.memory_space<vmem>>) offsets(%arg7 : memref<40xi32, #tpu.memory_space<vmem>>) semaphore(%arg14 : memref<!tpu.dma_semaphore, #tpu.memory_space<semaphore_mem>>)
    %scan3A = arith.constant 0 : i32
    %scan3A_7 = arith.constant 0 : i32
    %scan3A_8 = arith.constant 63 : i32
    %scan3A_9 = arith.addi %scan3A_7, %scan3A_8 : i32
    %scan3A_10 = arith.constant 1 : i32
    scf.for %scan3A_18 = %scan3A_7 to %scan3A_9 step %scan3A_10  : i32 {
      %mul3A_19 = arith.constant 2 : i32
      %mul3A_20 = arith.muli %mul3A_19, %scan3A_18 : i32
      %add3A_21 = arith.constant 1 : i32
      %add3A_22 = arith.addi %mul3A_20, %add3A_21 : i32
      %mul3A_23 = arith.constant 40 : i32
      %mul3A_24 = arith.muli %add3A_22, %mul3A_23 : i32
      %add3A_25 = arith.addi %mul3A_4, %mul3A_24 : i32
      "tpu.region"() ({
        %run_scoped3A = tpu.sem_alloc : memref<!tpu.dma_semaphore, #tpu.memory_space<semaphore_mem>>
        %dma_start3A_53 = tpu.memref_slice %arg3[%add3A_25] : memref<161320xi32, #tpu.memory_space<hbm>> -> memref<40xi32, #tpu.memory_space<hbm>>
        %dma_start3A_54 = tpu.memref_slice %arg3[%add3A_25] : memref<161320xi32, #tpu.memory_space<hbm>> -> memref<40xi32, #tpu.memory_space<hbm>>
        tpu.enqueue_dma source(%dma_start3A_54 : memref<40xi32, #tpu.memory_space<hbm>>) target(%arg9 : memref<40xi32, #tpu.memory_space<vmem>>) target_semaphore(%run_scoped3A : memref<!tpu.dma_semaphore, #tpu.memory_space<semaphore_mem>>)
        %dma_wait3A_55 = tpu.memref_slice %arg3[%add3A_25] : memref<161320xi32, #tpu.memory_space<hbm>> -> memref<40xi32, #tpu.memory_space<hbm>>
        %dma_wait3A_56 = tpu.memref_slice %arg3[%add3A_25] : memref<161320xi32, #tpu.memory_space<hbm>> -> memref<40xi32, #tpu.memory_space<hbm>>
        tpu.wait_dma2 semaphore(%run_scoped3A : memref<!tpu.dma_semaphore, #tpu.memory_space<semaphore_mem>>) src(%dma_wait3A_56 : memref<40xi32, #tpu.memory_space<hbm>>) dst(%arg9 : memref<40xi32, #tpu.memory_space<vmem>>)
        tpu.yield
      }) : () -> ()
      %add3A_26 = arith.constant 1 : i32
      %add3A_27 = arith.addi %mul3A_20, %add3A_26 : i32
      %mul3A_28 = arith.constant 40 : i32
      %mul3A_29 = arith.muli %add3A_27, %mul3A_28 : i32
      %add3A_30 = arith.addi %mul3A_4, %mul3A_29 : i32
      "tpu.region"() ({
        %run_scoped3A = tpu.sem_alloc : memref<!tpu.dma_semaphore, #tpu.memory_space<semaphore_mem>>
        %dma_start3A_53 = tpu.memref_slice %arg4[%add3A_30] : memref<161320xi32, #tpu.memory_space<hbm>> -> memref<40xi32, #tpu.memory_space<hbm>>
        %dma_start3A_54 = tpu.memref_slice %arg4[%add3A_30] : memref<161320xi32, #tpu.memory_space<hbm>> -> memref<40xi32, #tpu.memory_space<hbm>>
        tpu.enqueue_dma source(%dma_start3A_54 : memref<40xi32, #tpu.memory_space<hbm>>) target(%arg10 : memref<40xi32, #tpu.memory_space<vmem>>) target_semaphore(%run_scoped3A : memref<!tpu.dma_semaphore, #tpu.memory_space<semaphore_mem>>)
        %dma_wait3A_55 = tpu.memref_slice %arg4[%add3A_30] : memref<161320xi32, #tpu.memory_space<hbm>> -> memref<40xi32, #tpu.memory_space<hbm>>
        %dma_wait3A_56 = tpu.memref_slice %arg4[%add3A_30] : memref<161320xi32, #tpu.memory_space<hbm>> -> memref<40xi32, #tpu.memory_space<hbm>>
        tpu.wait_dma2 semaphore(%run_scoped3A : memref<!tpu.dma_semaphore, #tpu.memory_space<semaphore_mem>>) src(%dma_wait3A_56 : memref<40xi32, #tpu.memory_space<hbm>>) dst(%arg10 : memref<40xi32, #tpu.memory_space<vmem>>)
        tpu.yield
      }) : () -> ()
      %dma_start3A_31 = arith.constant 0 : i32
      %dma_start3A_32 = arith.constant 0 : i32
      %dma_start3A_33 = tpu.memref_slice %arg2[%dma_start3A_31, %dma_start3A_32] : memref<10000x128xf32, #tpu.memory_space<hbm>> -> memref<10000x128xf32, #tpu.memory_space<hbm>>
      tpu.enqueue_indirect_dma source(%dma_start3A_33 : memref<10000x128xf32, #tpu.memory_space<hbm>>) target(%arg12 : memref<40x128xf32, #tpu.memory_space<vmem>>) offsets(%arg9 : memref<40xi32, #tpu.memory_space<vmem>>) semaphore(%arg15 : memref<!tpu.dma_semaphore, #tpu.memory_space<semaphore_mem>>)
      %dma_wait3A_34 = arith.constant 0 : i32
      %dma_wait3A_35 = arith.constant 0 : i32
      %dma_wait3A_36 = tpu.memref_slice %arg2[%dma_wait3A_34, %dma_wait3A_35] : memref<10000x128xf32, #tpu.memory_space<hbm>> -> memref<10000x128xf32, #tpu.memory_space<hbm>>
      tpu.wait_indirect_dma semaphore(%arg14 : memref<!tpu.dma_semaphore, #tpu.memory_space<semaphore_mem>>) src(%dma_wait3A_36 : memref<10000x128xf32, #tpu.memory_space<hbm>>) dst(%arg11 : memref<40x128xf32, #tpu.memory_space<vmem>>)
      "tpu.region"() ({
        %run_scoped3A = tpu.sem_alloc : memref<!tpu.dma_semaphore, #tpu.memory_space<semaphore_mem>>
        %dma_start3A_53 = arith.constant 0 : i32
        %dma_start3A_54 = arith.constant 0 : i32
        %dma_start3A_55 = tpu.memref_slice %arg13[%dma_start3A_53, %dma_start3A_54] : memref<10112x128xf32, #tpu.memory_space<vmem_shared>> -> memref<10112x128xf32, #tpu.memory_space<vmem_shared>>
        tpu.enqueue_indirect_dma source(%arg11 : memref<40x128xf32, #tpu.memory_space<vmem>>) target(%dma_start3A_55 : memref<10112x128xf32, #tpu.memory_space<vmem_shared>>) offsets(%arg8 : memref<40xi32, #tpu.memory_space<vmem>>) semaphore(%run_scoped3A : memref<!tpu.dma_semaphore, #tpu.memory_space<semaphore_mem>>) {add = true}
        %dma_wait3A_56 = arith.constant 0 : i32
        %dma_wait3A_57 = arith.constant 0 : i32
        %dma_wait3A_58 = tpu.memref_slice %arg13[%dma_wait3A_56, %dma_wait3A_57] : memref<10112x128xf32, #tpu.memory_space<vmem_shared>> -> memref<10112x128xf32, #tpu.memory_space<vmem_shared>>
        tpu.wait_indirect_dma semaphore(%run_scoped3A : memref<!tpu.dma_semaphore, #tpu.memory_space<semaphore_mem>>) src(%arg11 : memref<40x128xf32, #tpu.memory_space<vmem>>) dst(%dma_wait3A_58 : memref<10112x128xf32, #tpu.memory_space<vmem_shared>>)
        tpu.yield
      }) : () -> ()
      %add3A_37 = arith.constant 2 : i32
      %add3A_38 = arith.addi %mul3A_20, %add3A_37 : i32
      %mul3A_39 = arith.constant 40 : i32
      %mul3A_40 = arith.muli %add3A_38, %mul3A_39 : i32
      %add3A_41 = arith.addi %mul3A_4, %mul3A_40 : i32
      "tpu.region"() ({
        %run_scoped3A = tpu.sem_alloc : memref<!tpu.dma_semaphore, #tpu.memory_space<semaphore_mem>>
        %dma_start3A_53 = tpu.memref_slice %arg3[%add3A_41] : memref<161320xi32, #tpu.memory_space<hbm>> -> memref<40xi32, #tpu.memory_space<hbm>>
        %dma_start3A_54 = tpu.memref_slice %arg3[%add3A_41] : memref<161320xi32, #tpu.memory_space<hbm>> -> memref<40xi32, #tpu.memory_space<hbm>>
        tpu.enqueue_dma source(%dma_start3A_54 : memref<40xi32, #tpu.memory_space<hbm>>) target(%arg7 : memref<40xi32, #tpu.memory_space<vmem>>) target_semaphore(%run_scoped3A : memref<!tpu.dma_semaphore, #tpu.memory_space<semaphore_mem>>)
        %dma_wait3A_55 = tpu.memref_slice %arg3[%add3A_41] : memref<161320xi32, #tpu.memory_space<hbm>> -> memref<40xi32, #tpu.memory_space<hbm>>
        %dma_wait3A_56 = tpu.memref_slice %arg3[%add3A_41] : memref<161320xi32, #tpu.memory_space<hbm>> -> memref<40xi32, #tpu.memory_space<hbm>>
        tpu.wait_dma2 semaphore(%run_scoped3A : memref<!tpu.dma_semaphore, #tpu.memory_space<semaphore_mem>>) src(%dma_wait3A_56 : memref<40xi32, #tpu.memory_space<hbm>>) dst(%arg7 : memref<40xi32, #tpu.memory_space<vmem>>)
        tpu.yield
      }) : () -> ()
      %add3A_42 = arith.constant 2 : i32
      %add3A_43 = arith.addi %mul3A_20, %add3A_42 : i32
      %mul3A_44 = arith.constant 40 : i32
      %mul3A_45 = arith.muli %add3A_43, %mul3A_44 : i32
      %add3A_46 = arith.addi %mul3A_4, %mul3A_45 : i32
      "tpu.region"() ({
        %run_scoped3A = tpu.sem_alloc : memref<!tpu.dma_semaphore, #tpu.memory_space<semaphore_mem>>
        %dma_start3A_53 = tpu.memref_slice %arg4[%add3A_46] : memref<161320xi32, #tpu.memory_space<hbm>> -> memref<40xi32, #tpu.memory_space<hbm>>
        %dma_start3A_54 = tpu.memref_slice %arg4[%add3A_46] : memref<161320xi32, #tpu.memory_space<hbm>> -> memref<40xi32, #tpu.memory_space<hbm>>
        tpu.enqueue_dma source(%dma_start3A_54 : memref<40xi32, #tpu.memory_space<hbm>>) target(%arg8 : memref<40xi32, #tpu.memory_space<vmem>>) target_semaphore(%run_scoped3A : memref<!tpu.dma_semaphore, #tpu.memory_space<semaphore_mem>>)
        %dma_wait3A_55 = tpu.memref_slice %arg4[%add3A_46] : memref<161320xi32, #tpu.memory_space<hbm>> -> memref<40xi32, #tpu.memory_space<hbm>>
        %dma_wait3A_56 = tpu.memref_slice %arg4[%add3A_46] : memref<161320xi32, #tpu.memory_space<hbm>> -> memref<40xi32, #tpu.memory_space<hbm>>
        tpu.wait_dma2 semaphore(%run_scoped3A : memref<!tpu.dma_semaphore, #tpu.memory_space<semaphore_mem>>) src(%dma_wait3A_56 : memref<40xi32, #tpu.memory_space<hbm>>) dst(%arg8 : memref<40xi32, #tpu.memory_space<vmem>>)
        tpu.yield
      }) : () -> ()
      %dma_start3A_47 = arith.constant 0 : i32
      %dma_start3A_48 = arith.constant 0 : i32
      %dma_start3A_49 = tpu.memref_slice %arg2[%dma_start3A_47, %dma_start3A_48] : memref<10000x128xf32, #tpu.memory_space<hbm>> -> memref<10000x128xf32, #tpu.memory_space<hbm>>
      tpu.enqueue_indirect_dma source(%dma_start3A_49 : memref<10000x128xf32, #tpu.memory_space<hbm>>) target(%arg11 : memref<40x128xf32, #tpu.memory_space<vmem>>) offsets(%arg7 : memref<40xi32, #tpu.memory_space<vmem>>) semaphore(%arg14 : memref<!tpu.dma_semaphore, #tpu.memory_space<semaphore_mem>>)
      %dma_wait3A_50 = arith.constant 0 : i32
      %dma_wait3A_51 = arith.constant 0 : i32
      %dma_wait3A_52 = tpu.memref_slice %arg2[%dma_wait3A_50, %dma_wait3A_51] : memref<10000x128xf32, #tpu.memory_space<hbm>> -> memref<10000x128xf32, #tpu.memory_space<hbm>>
      tpu.wait_indirect_dma semaphore(%arg15 : memref<!tpu.dma_semaphore, #tpu.memory_space<semaphore_mem>>) src(%dma_wait3A_52 : memref<10000x128xf32, #tpu.memory_space<hbm>>) dst(%arg12 : memref<40x128xf32, #tpu.memory_space<vmem>>)
      "tpu.region"() ({
        %run_scoped3A = tpu.sem_alloc : memref<!tpu.dma_semaphore, #tpu.memory_space<semaphore_mem>>
        %dma_start3A_53 = arith.constant 0 : i32
        %dma_start3A_54 = arith.constant 0 : i32
        %dma_start3A_55 = tpu.memref_slice %arg13[%dma_start3A_53, %dma_start3A_54] : memref<10112x128xf32, #tpu.memory_space<vmem_shared>> -> memref<10112x128xf32, #tpu.memory_space<vmem_shared>>
        tpu.enqueue_indirect_dma source(%arg12 : memref<40x128xf32, #tpu.memory_space<vmem>>) target(%dma_start3A_55 : memref<10112x128xf32, #tpu.memory_space<vmem_shared>>) offsets(%arg10 : memref<40xi32, #tpu.memory_space<vmem>>) semaphore(%run_scoped3A : memref<!tpu.dma_semaphore, #tpu.memory_space<semaphore_mem>>) {add = true}
        %dma_wait3A_56 = arith.constant 0 : i32
        %dma_wait3A_57 = arith.constant 0 : i32
        %dma_wait3A_58 = tpu.memref_slice %arg13[%dma_wait3A_56, %dma_wait3A_57] : memref<10112x128xf32, #tpu.memory_space<vmem_shared>> -> memref<10112x128xf32, #tpu.memory_space<vmem_shared>>
        tpu.wait_indirect_dma semaphore(%run_scoped3A : memref<!tpu.dma_semaphore, #tpu.memory_space<semaphore_mem>>) src(%arg12 : memref<40x128xf32, #tpu.memory_space<vmem>>) dst(%dma_wait3A_58 : memref<10112x128xf32, #tpu.memory_space<vmem_shared>>)
        tpu.yield
      }) : () -> ()
    }
    %scan3A_11 = arith.constant 63 : i32
    %dma_wait3A = arith.constant 0 : i32
    %dma_wait3A_12 = arith.constant 0 : i32
    %dma_wait3A_13 = tpu.memref_slice %arg2[%dma_wait3A, %dma_wait3A_12] : memref<10000x128xf32, #tpu.memory_space<hbm>> -> memref<10000x128xf32, #tpu.memory_space<hbm>>
    tpu.wait_indirect_dma semaphore(%arg14 : memref<!tpu.dma_semaphore, #tpu.memory_space<semaphore_mem>>) src(%dma_wait3A_13 : memref<10000x128xf32, #tpu.memory_space<hbm>>) dst(%arg11 : memref<40x128xf32, #tpu.memory_space<vmem>>)
    %barrier3A_14 = arith.constant 0 : index
    tpu.barrier barrier_id(%barrier3A_14)
    %mul3A_15 = arith.constant 10112 : i32
    %mul3A_16 = arith.muli %arg0, %mul3A_15 : i32
    %add3A_17 = arith.addi %mul3A_16, %mul3A_2 : i32
    "tpu.region"() ({
      %run_scoped3A = tpu.sem_alloc : memref<!tpu.dma_semaphore, #tpu.memory_space<semaphore_mem>>
      %dma_start3A_18 = arith.constant 0 : i32
      %dma_start3A_19 = tpu.memref_slice %arg6[%add3A_17, %dma_start3A_18] : memref<20224x128xf32, #tpu.memory_space<hbm>> -> memref<632x128xf32, #tpu.memory_space<hbm>>
      %dma_start3A_20 = arith.constant 0 : i32
      %dma_start3A_21 = tpu.memref_slice %arg13[%mul3A_2, %dma_start3A_20] : memref<10112x128xf32, #tpu.memory_space<vmem_shared>> -> memref<632x128xf32, #tpu.memory_space<vmem_shared>>
      tpu.enqueue_dma source(%dma_start3A_21 : memref<632x128xf32, #tpu.memory_space<vmem_shared>>) target(%dma_start3A_19 : memref<632x128xf32, #tpu.memory_space<hbm>>) target_semaphore(%run_scoped3A : memref<!tpu.dma_semaphore, #tpu.memory_space<semaphore_mem>>)
      %dma_wait3A_22 = arith.constant 0 : i32
      %dma_wait3A_23 = tpu.memref_slice %arg6[%add3A_17, %dma_wait3A_22] : memref<20224x128xf32, #tpu.memory_space<hbm>> -> memref<632x128xf32, #tpu.memory_space<hbm>>
      %dma_wait3A_24 = arith.constant 0 : i32
      %dma_wait3A_25 = tpu.memref_slice %arg13[%mul3A_2, %dma_wait3A_24] : memref<10112x128xf32, #tpu.memory_space<vmem_shared>> -> memref<632x128xf32, #tpu.memory_space<vmem_shared>>
      tpu.wait_dma2 semaphore(%run_scoped3A : memref<!tpu.dma_semaphore, #tpu.memory_space<semaphore_mem>>) src(%dma_wait3A_25 : memref<632x128xf32, #tpu.memory_space<vmem_shared>>) dst(%dma_wait3A_23 : memref<632x128xf32, #tpu.memory_space<hbm>>)
      tpu.yield
    }) : () -> ()
    return
  }
}

#map = affine_map<(d0, d1) -> (0)>
#map1 = affine_map<(d0, d1) -> (0, 0)>
module attributes {stable_mosaic.version = 14 : i64} {
  func.func @deg_kernel(%arg0: i32, %arg1: i32, %arg2: memref<161320xi32, #tpu.memory_space<hbm>>, %arg3: memref<632x128xf32, #tpu.memory_space<hbm>>, %arg4: memref<20224x128xf32, #tpu.memory_space<hbm>>, %arg5: memref<40xi32, #tpu.memory_space<vmem>>, %arg6: memref<40x128xf32, #tpu.memory_space<vmem>>, %arg7: memref<10112x128xf32, #tpu.memory_space<vmem_shared>>) attributes {dimension_semantics = [#tpu.dimension_semantics<core_parallel>, #tpu.dimension_semantics<subcore_parallel>], iteration_bounds = array<i64: 2, 16>, scalar_prefetch = 0 : i64, scratch_operands = 3 : i64, tpu.core_type = #tpu.core_type<sc_vector_subcore>, window_params = [{transform_indices = #map}, {transform_indices = #map1}, {transform_indices = #map1}]} {
    %mul3A = arith.constant 2 : i32
    %mul3A_0 = arith.muli %arg1, %mul3A : i32
    %add3A = arith.addi %mul3A_0, %arg0 : i32
    %mul3A_1 = arith.constant 632 : i32
    %mul3A_2 = arith.muli %arg1, %mul3A_1 : i32
    %scan3A = arith.constant 0 : i32
    %scan3A_3 = arith.constant 0 : i32
    %scan3A_4 = arith.constant 320 : i32
    %scan3A_5 = arith.addi %scan3A_3, %scan3A_4 : i32
    %scan3A_6 = arith.constant 1 : i32
    scf.for %scan3A_18 = %scan3A_3 to %scan3A_5 step %scan3A_6  : i32 {
      %broadcast_in_dim3A = arith.constant 1.000000e+00 : f32
      %broadcast_in_dim3A_19 = vector.broadcast %broadcast_in_dim3A : f32 to vector<16xf32>
      %jit3A = arith.constant 8 : i32
      %div3A = arith.divsi %scan3A_18, %jit3A : i32
      %sign3A = arith.constant 0 : i32
      %sign3A_20 = arith.cmpi sgt, %scan3A_18, %sign3A : i32
      %sign3A_21 = arith.extui %sign3A_20 : i1 to i32
      %sign3A_22 = arith.constant 0 : i32
      %sign3A_23 = arith.cmpi slt, %scan3A_18, %sign3A_22 : i32
      %sign3A_24 = arith.extui %sign3A_23 : i1 to i32
      %sign3A_25 = arith.subi %sign3A_21, %sign3A_24 : i32
      %sign3A_26 = arith.constant 0 : i32
      %sign3A_27 = arith.cmpi sgt, %jit3A, %sign3A_26 : i32
      %sign3A_28 = arith.extui %sign3A_27 : i1 to i32
      %sign3A_29 = arith.constant 0 : i32
      %sign3A_30 = arith.cmpi slt, %jit3A, %sign3A_29 : i32
      %sign3A_31 = arith.extui %sign3A_30 : i1 to i32
      %sign3A_32 = arith.subi %sign3A_28, %sign3A_31 : i32
      %ne3A = arith.cmpi ne, %sign3A_25, %sign3A_32 : i32
      %rem3A = arith.remsi %scan3A_18, %jit3A : i32
      %ne3A_33 = arith.constant 0 : i32
      %ne3A_34 = arith.cmpi ne, %rem3A, %ne3A_33 : i32
      %and3A = arith.andi %ne3A, %ne3A_34 : i1
      %sub3A = arith.constant 1 : i32
      %sub3A_35 = arith.subi %div3A, %sub3A : i32
      %select_n3A = arith.select %and3A, %sub3A_35, %div3A : i32
      %jit3A_36 = arith.constant 8 : i32
      %eq3A = arith.constant 0 : i32
      %eq3A_37 = arith.cmpi eq, %jit3A_36, %eq3A : i32
      %jit3A_38 = arith.constant 1 : i32
      %select_n3A_39 = arith.select %eq3A_37, %jit3A_38, %jit3A_36 : i32
      %rem3A_40 = arith.remsi %scan3A_18, %select_n3A_39 : i32
      %ne3A_41 = arith.constant 0 : i32
      %ne3A_42 = arith.cmpi ne, %rem3A_40, %ne3A_41 : i32
      %lt3A = arith.constant 0 : i32
      %lt3A_43 = arith.cmpi slt, %rem3A_40, %lt3A : i32
      %lt3A_44 = arith.constant 0 : i32
      %lt3A_45 = arith.cmpi slt, %select_n3A_39, %lt3A_44 : i32
      %ne3A_46 = arith.xori %lt3A_43, %lt3A_45 : i1
      %and3A_47 = arith.andi %ne3A_46, %ne3A_42 : i1
      %add3A_48 = arith.addi %rem3A_40, %select_n3A_39 : i32
      %select_n3A_49 = arith.select %and3A_47, %add3A_48, %rem3A_40 : i32
      %mul3A_50 = arith.constant 16 : i32
      %mul3A_51 = arith.muli %select_n3A_49, %mul3A_50 : i32
      %swap3A = arith.index_cast %select_n3A : i32 to index
      %swap3A_52 = arith.index_cast %mul3A_51 : i32 to index
      %swap3A_53 = tpu.vector_load %arg6[%swap3A, %swap3A_52] {strides = array<i32>} : memref<40x128xf32, #tpu.memory_space<vmem>>, vector<1x16xf32>,
      %swap3A_54 = vector.shape_cast %swap3A_53 : vector<1x16xf32> to vector<16xf32>
      %swap3A_55 = vector.shape_cast %broadcast_in_dim3A_19 : vector<16xf32> to vector<1x16xf32>
      tpu.vector_store %arg6[%swap3A, %swap3A_52], %swap3A_55 {strides = array<i32>} : memref<40x128xf32, #tpu.memory_space<vmem>>, vector<1x16xf32>,
    }
    %scan3A_7 = arith.constant 320 : i32
    "tpu.region"() ({
      %run_scoped3A = tpu.sem_alloc : memref<!tpu.dma_semaphore, #tpu.memory_space<semaphore_mem>>
      %dma_start3A = arith.constant 0 : i32
      %dma_start3A_18 = tpu.memref_slice %arg7[%mul3A_2, %dma_start3A] : memref<10112x128xf32, #tpu.memory_space<vmem_shared>> -> memref<632x128xf32, #tpu.memory_space<vmem_shared>>
      %dma_start3A_19 = arith.constant 0 : i32
      %dma_start3A_20 = arith.constant 0 : i32
      %dma_start3A_21 = tpu.memref_slice %arg3[%dma_start3A_19, %dma_start3A_20] : memref<632x128xf32, #tpu.memory_space<hbm>> -> memref<632x128xf32, #tpu.memory_space<hbm>>
      tpu.enqueue_dma source(%dma_start3A_21 : memref<632x128xf32, #tpu.memory_space<hbm>>) target(%dma_start3A_18 : memref<632x128xf32, #tpu.memory_space<vmem_shared>>) target_semaphore(%run_scoped3A : memref<!tpu.dma_semaphore, #tpu.memory_space<semaphore_mem>>)
      %dma_wait3A = arith.constant 0 : i32
      %dma_wait3A_22 = tpu.memref_slice %arg7[%mul3A_2, %dma_wait3A] : memref<10112x128xf32, #tpu.memory_space<vmem_shared>> -> memref<632x128xf32, #tpu.memory_space<vmem_shared>>
      %dma_wait3A_23 = arith.constant 0 : i32
      %dma_wait3A_24 = arith.constant 0 : i32
      %dma_wait3A_25 = tpu.memref_slice %arg3[%dma_wait3A_23, %dma_wait3A_24] : memref<632x128xf32, #tpu.memory_space<hbm>> -> memref<632x128xf32, #tpu.memory_space<hbm>>
      tpu.wait_dma2 semaphore(%run_scoped3A : memref<!tpu.dma_semaphore, #tpu.memory_space<semaphore_mem>>) src(%dma_wait3A_25 : memref<632x128xf32, #tpu.memory_space<hbm>>) dst(%dma_wait3A_22 : memref<632x128xf32, #tpu.memory_space<vmem_shared>>)
      tpu.yield
    }) : () -> ()
    %barrier3A = arith.constant 0 : index
    tpu.barrier barrier_id(%barrier3A)
    %scan3A_8 = arith.constant 0 : i32
    %scan3A_9 = arith.constant 0 : i32
    %scan3A_10 = arith.constant 126 : i32
    %scan3A_11 = arith.addi %scan3A_9, %scan3A_10 : i32
    %scan3A_12 = arith.constant 1 : i32
    scf.for %scan3A_18 = %scan3A_9 to %scan3A_11 step %scan3A_12  : i32 {
      %mul3A_19 = arith.constant 5040 : i32
      %mul3A_20 = arith.muli %add3A, %mul3A_19 : i32
      %mul3A_21 = arith.constant 40 : i32
      %mul3A_22 = arith.muli %scan3A_18, %mul3A_21 : i32
      %add3A_23 = arith.addi %mul3A_20, %mul3A_22 : i32
      "tpu.region"() ({
        %run_scoped3A = tpu.sem_alloc : memref<!tpu.dma_semaphore, #tpu.memory_space<semaphore_mem>>
        %dma_start3A = tpu.memref_slice %arg2[%add3A_23] : memref<161320xi32, #tpu.memory_space<hbm>> -> memref<40xi32, #tpu.memory_space<hbm>>
        %dma_start3A_24 = tpu.memref_slice %arg2[%add3A_23] : memref<161320xi32, #tpu.memory_space<hbm>> -> memref<40xi32, #tpu.memory_space<hbm>>
        tpu.enqueue_dma source(%dma_start3A_24 : memref<40xi32, #tpu.memory_space<hbm>>) target(%arg5 : memref<40xi32, #tpu.memory_space<vmem>>) target_semaphore(%run_scoped3A : memref<!tpu.dma_semaphore, #tpu.memory_space<semaphore_mem>>)
        %dma_wait3A = tpu.memref_slice %arg2[%add3A_23] : memref<161320xi32, #tpu.memory_space<hbm>> -> memref<40xi32, #tpu.memory_space<hbm>>
        %dma_wait3A_25 = tpu.memref_slice %arg2[%add3A_23] : memref<161320xi32, #tpu.memory_space<hbm>> -> memref<40xi32, #tpu.memory_space<hbm>>
        tpu.wait_dma2 semaphore(%run_scoped3A : memref<!tpu.dma_semaphore, #tpu.memory_space<semaphore_mem>>) src(%dma_wait3A_25 : memref<40xi32, #tpu.memory_space<hbm>>) dst(%arg5 : memref<40xi32, #tpu.memory_space<vmem>>)
        tpu.yield
      }) : () -> ()
      "tpu.region"() ({
        %run_scoped3A = tpu.sem_alloc : memref<!tpu.dma_semaphore, #tpu.memory_space<semaphore_mem>>
        %dma_start3A = arith.constant 0 : i32
        %dma_start3A_24 = arith.constant 0 : i32
        %dma_start3A_25 = tpu.memref_slice %arg7[%dma_start3A, %dma_start3A_24] : memref<10112x128xf32, #tpu.memory_space<vmem_shared>> -> memref<10112x128xf32, #tpu.memory_space<vmem_shared>>
        tpu.enqueue_indirect_dma source(%arg6 : memref<40x128xf32, #tpu.memory_space<vmem>>) target(%dma_start3A_25 : memref<10112x128xf32, #tpu.memory_space<vmem_shared>>) offsets(%arg5 : memref<40xi32, #tpu.memory_space<vmem>>) semaphore(%run_scoped3A : memref<!tpu.dma_semaphore, #tpu.memory_space<semaphore_mem>>) {add = true}
        %dma_wait3A = arith.constant 0 : i32
        %dma_wait3A_26 = arith.constant 0 : i32
        %dma_wait3A_27 = tpu.memref_slice %arg7[%dma_wait3A, %dma_wait3A_26] : memref<10112x128xf32, #tpu.memory_space<vmem_shared>> -> memref<10112x128xf32, #tpu.memory_space<vmem_shared>>
        tpu.wait_indirect_dma semaphore(%run_scoped3A : memref<!tpu.dma_semaphore, #tpu.memory_space<semaphore_mem>>) src(%arg6 : memref<40x128xf32, #tpu.memory_space<vmem>>) dst(%dma_wait3A_27 : memref<10112x128xf32, #tpu.memory_space<vmem_shared>>)
        tpu.yield
      }) : () -> ()
    }
    %scan3A_13 = arith.constant 126 : i32
    %barrier3A_14 = arith.constant 0 : index
    tpu.barrier barrier_id(%barrier3A_14)
    %mul3A_15 = arith.constant 10112 : i32
    %mul3A_16 = arith.muli %arg0, %mul3A_15 : i32
    %add3A_17 = arith.addi %mul3A_16, %mul3A_2 : i32
    "tpu.region"() ({
      %run_scoped3A = tpu.sem_alloc : memref<!tpu.dma_semaphore, #tpu.memory_space<semaphore_mem>>
      %dma_start3A = arith.constant 0 : i32
      %dma_start3A_18 = tpu.memref_slice %arg4[%add3A_17, %dma_start3A] : memref<20224x128xf32, #tpu.memory_space<hbm>> -> memref<632x128xf32, #tpu.memory_space<hbm>>
      %dma_start3A_19 = arith.constant 0 : i32
      %dma_start3A_20 = tpu.memref_slice %arg7[%mul3A_2, %dma_start3A_19] : memref<10112x128xf32, #tpu.memory_space<vmem_shared>> -> memref<632x128xf32, #tpu.memory_space<vmem_shared>>
      tpu.enqueue_dma source(%dma_start3A_20 : memref<632x128xf32, #tpu.memory_space<vmem_shared>>) target(%dma_start3A_18 : memref<632x128xf32, #tpu.memory_space<hbm>>) target_semaphore(%run_scoped3A : memref<!tpu.dma_semaphore, #tpu.memory_space<semaphore_mem>>)
      %dma_wait3A = arith.constant 0 : i32
      %dma_wait3A_21 = tpu.memref_slice %arg4[%add3A_17, %dma_wait3A] : memref<20224x128xf32, #tpu.memory_space<hbm>> -> memref<632x128xf32, #tpu.memory_space<hbm>>
      %dma_wait3A_22 = arith.constant 0 : i32
      %dma_wait3A_23 = tpu.memref_slice %arg7[%mul3A_2, %dma_wait3A_22] : memref<10112x128xf32, #tpu.memory_space<vmem_shared>> -> memref<632x128xf32, #tpu.memory_space<vmem_shared>>
      tpu.wait_dma2 semaphore(%run_scoped3A : memref<!tpu.dma_semaphore, #tpu.memory_space<semaphore_mem>>) src(%dma_wait3A_23 : memref<632x128xf32, #tpu.memory_space<vmem_shared>>) dst(%dma_wait3A_21 : memref<632x128xf32, #tpu.memory_space<hbm>>)
      tpu.yield
    }) : () -> ()
    return
  }
}

#map = affine_map<(d0, d1) -> (0, 0)>
#map1 = affine_map<(d0, d1) -> (0)>
module attributes {stable_mosaic.version = 14 : i64} {
  func.func @scat_kernel(%arg0: i32, %arg1: i32, %arg2: memref<10000x128xf32, #tpu.memory_space<hbm>>, %arg3: memref<161320xi32, #tpu.memory_space<hbm>>, %arg4: memref<161320xi32, #tpu.memory_space<hbm>>, %arg5: memref<632x128xf32, #tpu.memory_space<hbm>>, %arg6: memref<20224x128xf32, #tpu.memory_space<hbm>>, %arg7: memref<40xi32, #tpu.memory_space<vmem>>, %arg8: memref<40xi32, #tpu.memory_space<vmem>>, %arg9: memref<40xi32, #tpu.memory_space<vmem>>, %arg10: memref<40xi32, #tpu.memory_space<vmem>>, %arg11: memref<40x128xf32, #tpu.memory_space<vmem>>, %arg12: memref<40x128xf32, #tpu.memory_space<vmem>>, %arg13: memref<10112x128xf32, #tpu.memory_space<vmem_shared>>, %arg14: memref<!tpu.dma_semaphore, #tpu.memory_space<semaphore_mem>>, %arg15: memref<!tpu.dma_semaphore, #tpu.memory_space<semaphore_mem>>) attributes {dimension_semantics = [#tpu.dimension_semantics<core_parallel>, #tpu.dimension_semantics<subcore_parallel>], iteration_bounds = array<i64: 2, 16>, scalar_prefetch = 0 : i64, scratch_operands = 9 : i64, tpu.core_type = #tpu.core_type<sc_vector_subcore>, window_params = [{transform_indices = #map}, {transform_indices = #map1}, {transform_indices = #map1}, {transform_indices = #map}, {transform_indices = #map}]} {
    %mul3A = arith.constant 2 : i32
    %mul3A_0 = arith.muli %arg1, %mul3A : i32
    %add3A = arith.addi %mul3A_0, %arg0 : i32
    %mul3A_1 = arith.constant 632 : i32
    %mul3A_2 = arith.muli %arg1, %mul3A_1 : i32
    %mul3A_3 = arith.constant 5040 : i32
    %mul3A_4 = arith.muli %add3A, %mul3A_3 : i32
    "tpu.region"() ({
      %run_scoped3A = tpu.sem_alloc : memref<!tpu.dma_semaphore, #tpu.memory_space<semaphore_mem>>
      %dma_start3A_18 = arith.constant 0 : i32
      %dma_start3A_19 = tpu.memref_slice %arg13[%mul3A_2, %dma_start3A_18] : memref<10112x128xf32, #tpu.memory_space<vmem_shared>> -> memref<632x128xf32, #tpu.memory_space<vmem_shared>>
      %dma_start3A_20 = arith.constant 0 : i32
      %dma_start3A_21 = arith.constant 0 : i32
      %dma_start3A_22 = tpu.memref_slice %arg5[%dma_start3A_20, %dma_start3A_21] : memref<632x128xf32, #tpu.memory_space<hbm>> -> memref<632x128xf32, #tpu.memory_space<hbm>>
      tpu.enqueue_dma source(%dma_start3A_22 : memref<632x128xf32, #tpu.memory_space<hbm>>) target(%dma_start3A_19 : memref<632x128xf32, #tpu.memory_space<vmem_shared>>) target_semaphore(%run_scoped3A : memref<!tpu.dma_semaphore, #tpu.memory_space<semaphore_mem>>)
      %dma_wait3A_23 = arith.constant 0 : i32
      %dma_wait3A_24 = tpu.memref_slice %arg13[%mul3A_2, %dma_wait3A_23] : memref<10112x128xf32, #tpu.memory_space<vmem_shared>> -> memref<632x128xf32, #tpu.memory_space<vmem_shared>>
      %dma_wait3A_25 = arith.constant 0 : i32
      %dma_wait3A_26 = arith.constant 0 : i32
      %dma_wait3A_27 = tpu.memref_slice %arg5[%dma_wait3A_25, %dma_wait3A_26] : memref<632x128xf32, #tpu.memory_space<hbm>> -> memref<632x128xf32, #tpu.memory_space<hbm>>
      tpu.wait_dma2 semaphore(%run_scoped3A : memref<!tpu.dma_semaphore, #tpu.memory_space<semaphore_mem>>) src(%dma_wait3A_27 : memref<632x128xf32, #tpu.memory_space<hbm>>) dst(%dma_wait3A_24 : memref<632x128xf32, #tpu.memory_space<vmem_shared>>)
      tpu.yield
    }) : () -> ()
    %barrier3A = arith.constant 0 : index
    tpu.barrier barrier_id(%barrier3A)
    "tpu.region"() ({
      %run_scoped3A = tpu.sem_alloc : memref<!tpu.dma_semaphore, #tpu.memory_space<semaphore_mem>>
      %dma_start3A_18 = tpu.memref_slice %arg3[%mul3A_4] : memref<161320xi32, #tpu.memory_space<hbm>> -> memref<40xi32, #tpu.memory_space<hbm>>
      %dma_start3A_19 = tpu.memref_slice %arg3[%mul3A_4] : memref<161320xi32, #tpu.memory_space<hbm>> -> memref<40xi32, #tpu.memory_space<hbm>>
      tpu.enqueue_dma source(%dma_start3A_19 : memref<40xi32, #tpu.memory_space<hbm>>) target(%arg7 : memref<40xi32, #tpu.memory_space<vmem>>) target_semaphore(%run_scoped3A : memref<!tpu.dma_semaphore, #tpu.memory_space<semaphore_mem>>)
      %dma_wait3A_20 = tpu.memref_slice %arg3[%mul3A_4] : memref<161320xi32, #tpu.memory_space<hbm>> -> memref<40xi32, #tpu.memory_space<hbm>>
      %dma_wait3A_21 = tpu.memref_slice %arg3[%mul3A_4] : memref<161320xi32, #tpu.memory_space<hbm>> -> memref<40xi32, #tpu.memory_space<hbm>>
      tpu.wait_dma2 semaphore(%run_scoped3A : memref<!tpu.dma_semaphore, #tpu.memory_space<semaphore_mem>>) src(%dma_wait3A_21 : memref<40xi32, #tpu.memory_space<hbm>>) dst(%arg7 : memref<40xi32, #tpu.memory_space<vmem>>)
      tpu.yield
    }) : () -> ()
    "tpu.region"() ({
      %run_scoped3A = tpu.sem_alloc : memref<!tpu.dma_semaphore, #tpu.memory_space<semaphore_mem>>
      %dma_start3A_18 = tpu.memref_slice %arg4[%mul3A_4] : memref<161320xi32, #tpu.memory_space<hbm>> -> memref<40xi32, #tpu.memory_space<hbm>>
      %dma_start3A_19 = tpu.memref_slice %arg4[%mul3A_4] : memref<161320xi32, #tpu.memory_space<hbm>> -> memref<40xi32, #tpu.memory_space<hbm>>
      tpu.enqueue_dma source(%dma_start3A_19 : memref<40xi32, #tpu.memory_space<hbm>>) target(%arg8 : memref<40xi32, #tpu.memory_space<vmem>>) target_semaphore(%run_scoped3A : memref<!tpu.dma_semaphore, #tpu.memory_space<semaphore_mem>>)
      %dma_wait3A_20 = tpu.memref_slice %arg4[%mul3A_4] : memref<161320xi32, #tpu.memory_space<hbm>> -> memref<40xi32, #tpu.memory_space<hbm>>
      %dma_wait3A_21 = tpu.memref_slice %arg4[%mul3A_4] : memref<161320xi32, #tpu.memory_space<hbm>> -> memref<40xi32, #tpu.memory_space<hbm>>
      tpu.wait_dma2 semaphore(%run_scoped3A : memref<!tpu.dma_semaphore, #tpu.memory_space<semaphore_mem>>) src(%dma_wait3A_21 : memref<40xi32, #tpu.memory_space<hbm>>) dst(%arg8 : memref<40xi32, #tpu.memory_space<vmem>>)
      tpu.yield
    }) : () -> ()
    %dma_start3A = arith.constant 0 : i32
    %dma_start3A_5 = arith.constant 0 : i32
    %dma_start3A_6 = tpu.memref_slice %arg2[%dma_start3A, %dma_start3A_5] : memref<10000x128xf32, #tpu.memory_space<hbm>> -> memref<10000x128xf32, #tpu.memory_space<hbm>>
    tpu.enqueue_indirect_dma source(%dma_start3A_6 : memref<10000x128xf32, #tpu.memory_space<hbm>>) target(%arg11 : memref<40x128xf32, #tpu.memory_space<vmem>>) offsets(%arg7 : memref<40xi32, #tpu.memory_space<vmem>>) semaphore(%arg14 : memref<!tpu.dma_semaphore, #tpu.memory_space<semaphore_mem>>)
    %scan3A = arith.constant 0 : i32
    %scan3A_7 = arith.constant 0 : i32
    %scan3A_8 = arith.constant 63 : i32
    %scan3A_9 = arith.addi %scan3A_7, %scan3A_8 : i32
    %scan3A_10 = arith.constant 1 : i32
    scf.for %scan3A_18 = %scan3A_7 to %scan3A_9 step %scan3A_10  : i32 {
      %mul3A_19 = arith.constant 2 : i32
      %mul3A_20 = arith.muli %mul3A_19, %scan3A_18 : i32
      %add3A_21 = arith.constant 1 : i32
      %add3A_22 = arith.addi %mul3A_20, %add3A_21 : i32
      %mul3A_23 = arith.constant 40 : i32
      %mul3A_24 = arith.muli %add3A_22, %mul3A_23 : i32
      %add3A_25 = arith.addi %mul3A_4, %mul3A_24 : i32
      "tpu.region"() ({
        %run_scoped3A = tpu.sem_alloc : memref<!tpu.dma_semaphore, #tpu.memory_space<semaphore_mem>>
        %dma_start3A_53 = tpu.memref_slice %arg3[%add3A_25] : memref<161320xi32, #tpu.memory_space<hbm>> -> memref<40xi32, #tpu.memory_space<hbm>>
        %dma_start3A_54 = tpu.memref_slice %arg3[%add3A_25] : memref<161320xi32, #tpu.memory_space<hbm>> -> memref<40xi32, #tpu.memory_space<hbm>>
        tpu.enqueue_dma source(%dma_start3A_54 : memref<40xi32, #tpu.memory_space<hbm>>) target(%arg9 : memref<40xi32, #tpu.memory_space<vmem>>) target_semaphore(%run_scoped3A : memref<!tpu.dma_semaphore, #tpu.memory_space<semaphore_mem>>)
        %dma_wait3A_55 = tpu.memref_slice %arg3[%add3A_25] : memref<161320xi32, #tpu.memory_space<hbm>> -> memref<40xi32, #tpu.memory_space<hbm>>
        %dma_wait3A_56 = tpu.memref_slice %arg3[%add3A_25] : memref<161320xi32, #tpu.memory_space<hbm>> -> memref<40xi32, #tpu.memory_space<hbm>>
        tpu.wait_dma2 semaphore(%run_scoped3A : memref<!tpu.dma_semaphore, #tpu.memory_space<semaphore_mem>>) src(%dma_wait3A_56 : memref<40xi32, #tpu.memory_space<hbm>>) dst(%arg9 : memref<40xi32, #tpu.memory_space<vmem>>)
        tpu.yield
      }) : () -> ()
      %add3A_26 = arith.constant 1 : i32
      %add3A_27 = arith.addi %mul3A_20, %add3A_26 : i32
      %mul3A_28 = arith.constant 40 : i32
      %mul3A_29 = arith.muli %add3A_27, %mul3A_28 : i32
      %add3A_30 = arith.addi %mul3A_4, %mul3A_29 : i32
      "tpu.region"() ({
        %run_scoped3A = tpu.sem_alloc : memref<!tpu.dma_semaphore, #tpu.memory_space<semaphore_mem>>
        %dma_start3A_53 = tpu.memref_slice %arg4[%add3A_30] : memref<161320xi32, #tpu.memory_space<hbm>> -> memref<40xi32, #tpu.memory_space<hbm>>
        %dma_start3A_54 = tpu.memref_slice %arg4[%add3A_30] : memref<161320xi32, #tpu.memory_space<hbm>> -> memref<40xi32, #tpu.memory_space<hbm>>
        tpu.enqueue_dma source(%dma_start3A_54 : memref<40xi32, #tpu.memory_space<hbm>>) target(%arg10 : memref<40xi32, #tpu.memory_space<vmem>>) target_semaphore(%run_scoped3A : memref<!tpu.dma_semaphore, #tpu.memory_space<semaphore_mem>>)
        %dma_wait3A_55 = tpu.memref_slice %arg4[%add3A_30] : memref<161320xi32, #tpu.memory_space<hbm>> -> memref<40xi32, #tpu.memory_space<hbm>>
        %dma_wait3A_56 = tpu.memref_slice %arg4[%add3A_30] : memref<161320xi32, #tpu.memory_space<hbm>> -> memref<40xi32, #tpu.memory_space<hbm>>
        tpu.wait_dma2 semaphore(%run_scoped3A : memref<!tpu.dma_semaphore, #tpu.memory_space<semaphore_mem>>) src(%dma_wait3A_56 : memref<40xi32, #tpu.memory_space<hbm>>) dst(%arg10 : memref<40xi32, #tpu.memory_space<vmem>>)
        tpu.yield
      }) : () -> ()
      %dma_start3A_31 = arith.constant 0 : i32
      %dma_start3A_32 = arith.constant 0 : i32
      %dma_start3A_33 = tpu.memref_slice %arg2[%dma_start3A_31, %dma_start3A_32] : memref<10000x128xf32, #tpu.memory_space<hbm>> -> memref<10000x128xf32, #tpu.memory_space<hbm>>
      tpu.enqueue_indirect_dma source(%dma_start3A_33 : memref<10000x128xf32, #tpu.memory_space<hbm>>) target(%arg12 : memref<40x128xf32, #tpu.memory_space<vmem>>) offsets(%arg9 : memref<40xi32, #tpu.memory_space<vmem>>) semaphore(%arg15 : memref<!tpu.dma_semaphore, #tpu.memory_space<semaphore_mem>>)
      %dma_wait3A_34 = arith.constant 0 : i32
      %dma_wait3A_35 = arith.constant 0 : i32
      %dma_wait3A_36 = tpu.memref_slice %arg2[%dma_wait3A_34, %dma_wait3A_35] : memref<10000x128xf32, #tpu.memory_space<hbm>> -> memref<10000x128xf32, #tpu.memory_space<hbm>>
      tpu.wait_indirect_dma semaphore(%arg14 : memref<!tpu.dma_semaphore, #tpu.memory_space<semaphore_mem>>) src(%dma_wait3A_36 : memref<10000x128xf32, #tpu.memory_space<hbm>>) dst(%arg11 : memref<40x128xf32, #tpu.memory_space<vmem>>)
      "tpu.region"() ({
        %run_scoped3A = tpu.sem_alloc : memref<!tpu.dma_semaphore, #tpu.memory_space<semaphore_mem>>
        %dma_start3A_53 = arith.constant 0 : i32
        %dma_start3A_54 = arith.constant 0 : i32
        %dma_start3A_55 = tpu.memref_slice %arg13[%dma_start3A_53, %dma_start3A_54] : memref<10112x128xf32, #tpu.memory_space<vmem_shared>> -> memref<10112x128xf32, #tpu.memory_space<vmem_shared>>
        tpu.enqueue_indirect_dma source(%arg11 : memref<40x128xf32, #tpu.memory_space<vmem>>) target(%dma_start3A_55 : memref<10112x128xf32, #tpu.memory_space<vmem_shared>>) offsets(%arg8 : memref<40xi32, #tpu.memory_space<vmem>>) semaphore(%run_scoped3A : memref<!tpu.dma_semaphore, #tpu.memory_space<semaphore_mem>>) {add = true}
        %dma_wait3A_56 = arith.constant 0 : i32
        %dma_wait3A_57 = arith.constant 0 : i32
        %dma_wait3A_58 = tpu.memref_slice %arg13[%dma_wait3A_56, %dma_wait3A_57] : memref<10112x128xf32, #tpu.memory_space<vmem_shared>> -> memref<10112x128xf32, #tpu.memory_space<vmem_shared>>
        tpu.wait_indirect_dma semaphore(%run_scoped3A : memref<!tpu.dma_semaphore, #tpu.memory_space<semaphore_mem>>) src(%arg11 : memref<40x128xf32, #tpu.memory_space<vmem>>) dst(%dma_wait3A_58 : memref<10112x128xf32, #tpu.memory_space<vmem_shared>>)
        tpu.yield
      }) : () -> ()
      %add3A_37 = arith.constant 2 : i32
      %add3A_38 = arith.addi %mul3A_20, %add3A_37 : i32
      %mul3A_39 = arith.constant 40 : i32
      %mul3A_40 = arith.muli %add3A_38, %mul3A_39 : i32
      %add3A_41 = arith.addi %mul3A_4, %mul3A_40 : i32
      "tpu.region"() ({
        %run_scoped3A = tpu.sem_alloc : memref<!tpu.dma_semaphore, #tpu.memory_space<semaphore_mem>>
        %dma_start3A_53 = tpu.memref_slice %arg3[%add3A_41] : memref<161320xi32, #tpu.memory_space<hbm>> -> memref<40xi32, #tpu.memory_space<hbm>>
        %dma_start3A_54 = tpu.memref_slice %arg3[%add3A_41] : memref<161320xi32, #tpu.memory_space<hbm>> -> memref<40xi32, #tpu.memory_space<hbm>>
        tpu.enqueue_dma source(%dma_start3A_54 : memref<40xi32, #tpu.memory_space<hbm>>) target(%arg7 : memref<40xi32, #tpu.memory_space<vmem>>) target_semaphore(%run_scoped3A : memref<!tpu.dma_semaphore, #tpu.memory_space<semaphore_mem>>)
        %dma_wait3A_55 = tpu.memref_slice %arg3[%add3A_41] : memref<161320xi32, #tpu.memory_space<hbm>> -> memref<40xi32, #tpu.memory_space<hbm>>
        %dma_wait3A_56 = tpu.memref_slice %arg3[%add3A_41] : memref<161320xi32, #tpu.memory_space<hbm>> -> memref<40xi32, #tpu.memory_space<hbm>>
        tpu.wait_dma2 semaphore(%run_scoped3A : memref<!tpu.dma_semaphore, #tpu.memory_space<semaphore_mem>>) src(%dma_wait3A_56 : memref<40xi32, #tpu.memory_space<hbm>>) dst(%arg7 : memref<40xi32, #tpu.memory_space<vmem>>)
        tpu.yield
      }) : () -> ()
      %add3A_42 = arith.constant 2 : i32
      %add3A_43 = arith.addi %mul3A_20, %add3A_42 : i32
      %mul3A_44 = arith.constant 40 : i32
      %mul3A_45 = arith.muli %add3A_43, %mul3A_44 : i32
      %add3A_46 = arith.addi %mul3A_4, %mul3A_45 : i32
      "tpu.region"() ({
        %run_scoped3A = tpu.sem_alloc : memref<!tpu.dma_semaphore, #tpu.memory_space<semaphore_mem>>
        %dma_start3A_53 = tpu.memref_slice %arg4[%add3A_46] : memref<161320xi32, #tpu.memory_space<hbm>> -> memref<40xi32, #tpu.memory_space<hbm>>
        %dma_start3A_54 = tpu.memref_slice %arg4[%add3A_46] : memref<161320xi32, #tpu.memory_space<hbm>> -> memref<40xi32, #tpu.memory_space<hbm>>
        tpu.enqueue_dma source(%dma_start3A_54 : memref<40xi32, #tpu.memory_space<hbm>>) target(%arg8 : memref<40xi32, #tpu.memory_space<vmem>>) target_semaphore(%run_scoped3A : memref<!tpu.dma_semaphore, #tpu.memory_space<semaphore_mem>>)
        %dma_wait3A_55 = tpu.memref_slice %arg4[%add3A_46] : memref<161320xi32, #tpu.memory_space<hbm>> -> memref<40xi32, #tpu.memory_space<hbm>>
        %dma_wait3A_56 = tpu.memref_slice %arg4[%add3A_46] : memref<161320xi32, #tpu.memory_space<hbm>> -> memref<40xi32, #tpu.memory_space<hbm>>
        tpu.wait_dma2 semaphore(%run_scoped3A : memref<!tpu.dma_semaphore, #tpu.memory_space<semaphore_mem>>) src(%dma_wait3A_56 : memref<40xi32, #tpu.memory_space<hbm>>) dst(%arg8 : memref<40xi32, #tpu.memory_space<vmem>>)
        tpu.yield
      }) : () -> ()
      %dma_start3A_47 = arith.constant 0 : i32
      %dma_start3A_48 = arith.constant 0 : i32
      %dma_start3A_49 = tpu.memref_slice %arg2[%dma_start3A_47, %dma_start3A_48] : memref<10000x128xf32, #tpu.memory_space<hbm>> -> memref<10000x128xf32, #tpu.memory_space<hbm>>
      tpu.enqueue_indirect_dma source(%dma_start3A_49 : memref<10000x128xf32, #tpu.memory_space<hbm>>) target(%arg11 : memref<40x128xf32, #tpu.memory_space<vmem>>) offsets(%arg7 : memref<40xi32, #tpu.memory_space<vmem>>) semaphore(%arg14 : memref<!tpu.dma_semaphore, #tpu.memory_space<semaphore_mem>>)
      %dma_wait3A_50 = arith.constant 0 : i32
      %dma_wait3A_51 = arith.constant 0 : i32
      %dma_wait3A_52 = tpu.memref_slice %arg2[%dma_wait3A_50, %dma_wait3A_51] : memref<10000x128xf32, #tpu.memory_space<hbm>> -> memref<10000x128xf32, #tpu.memory_space<hbm>>
      tpu.wait_indirect_dma semaphore(%arg15 : memref<!tpu.dma_semaphore, #tpu.memory_space<semaphore_mem>>) src(%dma_wait3A_52 : memref<10000x128xf32, #tpu.memory_space<hbm>>) dst(%arg12 : memref<40x128xf32, #tpu.memory_space<vmem>>)
      "tpu.region"() ({
        %run_scoped3A = tpu.sem_alloc : memref<!tpu.dma_semaphore, #tpu.memory_space<semaphore_mem>>
        %dma_start3A_53 = arith.constant 0 : i32
        %dma_start3A_54 = arith.constant 0 : i32
        %dma_start3A_55 = tpu.memref_slice %arg13[%dma_start3A_53, %dma_start3A_54] : memref<10112x128xf32, #tpu.memory_space<vmem_shared>> -> memref<10112x128xf32, #tpu.memory_space<vmem_shared>>
        tpu.enqueue_indirect_dma source(%arg12 : memref<40x128xf32, #tpu.memory_space<vmem>>) target(%dma_start3A_55 : memref<10112x128xf32, #tpu.memory_space<vmem_shared>>) offsets(%arg10 : memref<40xi32, #tpu.memory_space<vmem>>) semaphore(%run_scoped3A : memref<!tpu.dma_semaphore, #tpu.memory_space<semaphore_mem>>) {add = true}
        %dma_wait3A_56 = arith.constant 0 : i32
        %dma_wait3A_57 = arith.constant 0 : i32
        %dma_wait3A_58 = tpu.memref_slice %arg13[%dma_wait3A_56, %dma_wait3A_57] : memref<10112x128xf32, #tpu.memory_space<vmem_shared>> -> memref<10112x128xf32, #tpu.memory_space<vmem_shared>>
        tpu.wait_indirect_dma semaphore(%run_scoped3A : memref<!tpu.dma_semaphore, #tpu.memory_space<semaphore_mem>>) src(%arg12 : memref<40x128xf32, #tpu.memory_space<vmem>>) dst(%dma_wait3A_58 : memref<10112x128xf32, #tpu.memory_space<vmem_shared>>)
        tpu.yield
      }) : () -> ()
    }
    %scan3A_11 = arith.constant 63 : i32
    %dma_wait3A = arith.constant 0 : i32
    %dma_wait3A_12 = arith.constant 0 : i32
    %dma_wait3A_13 = tpu.memref_slice %arg2[%dma_wait3A, %dma_wait3A_12] : memref<10000x128xf32, #tpu.memory_space<hbm>> -> memref<10000x128xf32, #tpu.memory_space<hbm>>
    tpu.wait_indirect_dma semaphore(%arg14 : memref<!tpu.dma_semaphore, #tpu.memory_space<semaphore_mem>>) src(%dma_wait3A_13 : memref<10000x128xf32, #tpu.memory_space<hbm>>) dst(%arg11 : memref<40x128xf32, #tpu.memory_space<vmem>>)
    %barrier3A_14 = arith.constant 0 : index
    tpu.barrier barrier_id(%barrier3A_14)
    %mul3A_15 = arith.constant 10112 : i32
    %mul3A_16 = arith.muli %arg0, %mul3A_15 : i32
    %add3A_17 = arith.addi %mul3A_16, %mul3A_2 : i32
    "tpu.region"() ({
      %run_scoped3A = tpu.sem_alloc : memref<!tpu.dma_semaphore, #tpu.memory_space<semaphore_mem>>
      %dma_start3A_18 = arith.constant 0 : i32
      %dma_start3A_19 = tpu.memref_slice %arg6[%add3A_17, %dma_start3A_18] : memref<20224x128xf32, #tpu.memory_space<hbm>> -> memref<632x128xf32, #tpu.memory_space<hbm>>
      %dma_start3A_20 = arith.constant 0 : i32
      %dma_start3A_21 = tpu.memref_slice %arg13[%mul3A_2, %dma_start3A_20] : memref<10112x128xf32, #tpu.memory_space<vmem_shared>> -> memref<632x128xf32, #tpu.memory_space<vmem_shared>>
      tpu.enqueue_dma source(%dma_start3A_21 : memref<632x128xf32, #tpu.memory_space<vmem_shared>>) target(%dma_start3A_19 : memref<632x128xf32, #tpu.memory_space<hbm>>) target_semaphore(%run_scoped3A : memref<!tpu.dma_semaphore, #tpu.memory_space<semaphore_mem>>)
      %dma_wait3A_22 = arith.constant 0 : i32
      %dma_wait3A_23 = tpu.memref_slice %arg6[%add3A_17, %dma_wait3A_22] : memref<20224x128xf32, #tpu.memory_space<hbm>> -> memref<632x128xf32, #tpu.memory_space<hbm>>
      %dma_wait3A_24 = arith.constant 0 : i32
      %dma_wait3A_25 = tpu.memref_slice %arg13[%mul3A_2, %dma_wait3A_24] : memref<10112x128xf32, #tpu.memory_space<vmem_shared>> -> memref<632x128xf32, #tpu.memory_space<vmem_shared>>
      tpu.wait_dma2 semaphore(%run_scoped3A : memref<!tpu.dma_semaphore, #tpu.memory_space<semaphore_mem>>) src(%dma_wait3A_25 : memref<632x128xf32, #tpu.memory_space<vmem_shared>>) dst(%dma_wait3A_23 : memref<632x128xf32, #tpu.memory_space<hbm>>)
      tpu.yield
    }) : () -> ()
    return
  }
}

module attributes {stable_mosaic.version = 14 : i64} {
  func.func @body(%arg0: i32, %arg1: memref<2x1000x128xf32, #tpu.memory_space<vmem>>, %arg2: memref<1000x128xf32, #tpu.memory_space<vmem>>, %arg3: memref<2x1000x128xf32, #tpu.memory_space<vmem>>, %arg4: memref<1x128xf32, #tpu.memory_space<vmem>>, %arg5: memref<128x128xf32, #tpu.memory_space<vmem>>, %arg6: memref<1000x128xf32, #tpu.memory_space<vmem>>) attributes {dimension_semantics = [#tpu.dimension_semantics<arbitrary>], iteration_bounds = array<i64: 10>, scalar_prefetch = 0 : i64, scratch_operands = 0 : i64, tpu.core_type = #tpu.core_type<tc>, window_params = [{transform_indices = @transform_0, window_bounds = array<i64: 2, 1000, 128>}, {transform_indices = @transform_1, window_bounds = array<i64: 1000, 128>}, {transform_indices = @transform_2, window_bounds = array<i64: 2, 1000, 128>}, {pipeline_mode = #tpu.pipeline_mode<synchronous>, transform_indices = @transform_3, window_bounds = array<i64: 1, 128>}, {pipeline_mode = #tpu.pipeline_mode<synchronous>, transform_indices = @transform_4, window_bounds = array<i64: 128, 128>}, {transform_indices = @transform_5, window_bounds = array<i64: 1000, 128>}]} {
    %get3A = arith.constant 0 : index
    %get3A_0 = arith.constant 0 : index
    %get3A_1 = arith.constant 0 : index
    %get3A_2 = vector.load %arg3[%get3A, %get3A_0, %get3A_1] : memref<2x1000x128xf32, #tpu.memory_space<vmem>>, vector<1x1000x128xf32>
    %get3A_3 = vector.shape_cast %get3A_2 : vector<1x1000x128xf32> to vector<1000x128xf32>
    %slice3A = vector.extract_strided_slice %get3A_3 {offsets = [0, 0], sizes = [1000, 1], strides = [1, 1]} : vector<1000x128xf32> to vector<1000x1xf32>
    %get3A_4 = arith.constant 1 : index
    %get3A_5 = arith.constant 0 : index
    %get3A_6 = arith.constant 0 : index
    %get3A_7 = vector.load %arg3[%get3A_4, %get3A_5, %get3A_6] : memref<2x1000x128xf32, #tpu.memory_space<vmem>>, vector<1x1000x128xf32>
    %get3A_8 = vector.shape_cast %get3A_7 : vector<1x1000x128xf32> to vector<1000x128xf32>
    %slice3A_9 = vector.extract_strided_slice %get3A_8 {offsets = [0, 0], sizes = [1000, 1], strides = [1, 1]} : vector<1000x128xf32> to vector<1000x1xf32>
    %add3A = arith.addf %slice3A, %slice3A_9 : vector<1000x1xf32>
    %add3A_10 = arith.constant 2.000000e+00 : f32
    %add3A_11 = vector.broadcast %add3A_10 : f32 to vector<1000x1xf32>
    %add3A_12 = arith.addf %add3A, %add3A_11 : vector<1000x1xf32>
    %gt3A = arith.constant 0.000000e+00 : f32
    %gt3A_13 = vector.broadcast %gt3A : f32 to vector<1000x1xf32>
    %gt3A_14 = arith.cmpf ogt, %add3A_12, %gt3A_13 : vector<1000x1xf32>
    %rsqrt3A = math.rsqrt %add3A_12 : vector<1000x1xf32>
    %jit3A = arith.constant 0.000000e+00 : f32
    %broadcast_in_dim3A = vector.broadcast %jit3A : f32 to vector<1000x1xf32>
    %select_n3A = arith.select %gt3A_14, %rsqrt3A, %broadcast_in_dim3A : vector<1000x1xi1>, vector<1000x1xf32>
    %get3A_15 = arith.constant 0 : index
    %get3A_16 = arith.constant 0 : index
    %get3A_17 = arith.constant 0 : index
    %get3A_18 = vector.load %arg1[%get3A_15, %get3A_16, %get3A_17] : memref<2x1000x128xf32, #tpu.memory_space<vmem>>, vector<1x1000x128xf32>
    %get3A_19 = vector.shape_cast %get3A_18 : vector<1x1000x128xf32> to vector<1000x128xf32>
    %get3A_20 = arith.constant 1 : index
    %get3A_21 = arith.constant 0 : index
    %get3A_22 = arith.constant 0 : index
    %get3A_23 = vector.load %arg1[%get3A_20, %get3A_21, %get3A_22] : memref<2x1000x128xf32, #tpu.memory_space<vmem>>, vector<1x1000x128xf32>
    %get3A_24 = vector.shape_cast %get3A_23 : vector<1x1000x128xf32> to vector<1000x128xf32>
    %add3A_25 = arith.addf %get3A_19, %get3A_24 : vector<1000x128xf32>
    %get3A_26 = arith.constant 0 : index
    %get3A_27 = arith.constant 0 : index
    %get3A_28 = vector.load %arg2[%get3A_26, %get3A_27] : memref<1000x128xf32, #tpu.memory_space<vmem>>, vector<1000x128xf32>
    %mul3A = arith.constant 2.000000e+00 : f32
    %mul3A_29 = vector.broadcast %mul3A : f32 to vector<1000x128xf32>
    %mul3A_30 = arith.mulf %mul3A_29, %get3A_28 : vector<1000x128xf32>
    %add3A_31 = arith.addf %add3A_25, %mul3A_30 : vector<1000x128xf32>
    %mul3A_32 = vector.broadcast %select_n3A : vector<1000x1xf32> to vector<1000x128xf32>
    %mul3A_33 = arith.mulf %mul3A_32, %add3A_31 : vector<1000x128xf32>
    %get3A_34 = arith.constant 0 : index
    %get3A_35 = arith.constant 0 : index
    %get3A_36 = vector.load %arg4[%get3A_34, %get3A_35] : memref<1x128xf32, #tpu.memory_space<vmem>>, vector<1x128xf32>
    %add3A_37 = vector.broadcast %get3A_36 : vector<1x128xf32> to vector<1000x128xf32>
    %add3A_38 = arith.addf %mul3A_33, %add3A_37 : vector<1000x128xf32>
    %max3A = arith.constant 0.000000e+00 : f32
    %max3A_39 = vector.broadcast %max3A : f32 to vector<1000x128xf32>
    %max3A_40 = arith.maximumf %add3A_38, %max3A_39 : vector<1000x128xf32>
    %get3A_41 = arith.constant 0 : index
    %get3A_42 = arith.constant 0 : index
    %get3A_43 = vector.load %arg5[%get3A_41, %get3A_42] : memref<128x128xf32, #tpu.memory_space<vmem>>, vector<128x128xf32>
    %dot_general3A = arith.constant dense<0.000000e+00> : vector<1000x128xf32>
    %dot_general3A_44 = tpu.matmul %max3A_40, %get3A_43, %dot_general3A {dimension_numbers = #tpu.dot_dimension_numbers<[1], [0], [0], [1], [0, 0, 1, 1], [], []>, transpose_lhs_hint = false} : vector<1000x128xf32>, vector<128x128xf32>, vector<1000x128xf32> -> vector<1000x128xf32>
    %mul3A_45 = vector.broadcast %select_n3A : vector<1000x1xf32> to vector<1000x128xf32>
    %mul3A_46 = arith.mulf %mul3A_45, %dot_general3A_44 : vector<1000x128xf32>
    %swap3A = arith.constant 0 : index
    %swap3A_47 = arith.constant 0 : index
    %swap3A_48 = vector.load %arg6[%swap3A, %swap3A_47] : memref<1000x128xf32, #tpu.memory_space<vmem>>, vector<1000x128xf32>
    tpu.vector_store %arg6[%swap3A, %swap3A_47], %mul3A_46 {strides = array<i32>} : memref<1000x128xf32, #tpu.memory_space<vmem>>, vector<1000x128xf32>,
    return
  }
  func.func @transform_0(%arg0: i32) -> (i32, i32, i32) {
    %c0_i32 = arith.constant 0 : i32
    %c0_i32_0 = arith.constant 0 : i32
    %c0_i32_1 = arith.constant 0 : i32
    return %c0_i32, %arg0, %c0_i32_0 : i32, i32, i32
  }
  func.func @transform_1(%arg0: i32) -> (i32, i32) {
    %c0_i32 = arith.constant 0 : i32
    %c0_i32_0 = arith.constant 0 : i32
    return %arg0, %c0_i32 : i32, i32
  }
  func.func @transform_2(%arg0: i32) -> (i32, i32, i32) {
    %c0_i32 = arith.constant 0 : i32
    %c0_i32_0 = arith.constant 0 : i32
    %c0_i32_1 = arith.constant 0 : i32
    return %c0_i32, %arg0, %c0_i32_0 : i32, i32, i32
  }
  func.func @transform_3(%arg0: i32) -> (i32, i32) {
    %c0_i32 = arith.constant 0 : i32
    %c0_i32_0 = arith.constant 0 : i32
    %c0_i32_1 = arith.constant 0 : i32
    return %c0_i32, %c0_i32_0 : i32, i32
  }
  func.func @transform_4(%arg0: i32) -> (i32, i32) {
    %c0_i32 = arith.constant 0 : i32
    %c0_i32_0 = arith.constant 0 : i32
    %c0_i32_1 = arith.constant 0 : i32
    return %c0_i32, %c0_i32_0 : i32, i32
  }
  func.func @transform_5(%arg0: i32) -> (i32, i32) {
    %c0_i32 = arith.constant 0 : i32
    %c0_i32_0 = arith.constant 0 : i32
    return %arg0, %c0_i32 : i32, i32
  }
}

module attributes {stable_mosaic.version = 14 : i64} {
  func.func @body(%arg0: i32, %arg1: memref<1000x256xf32, #tpu.memory_space<vmem>>, %arg2: memref<256x128xf32, #tpu.memory_space<vmem>>, %arg3: memref<2x1000x128xf32, #tpu.memory_space<vmem>>, %arg4: memref<1000x128xf32, #tpu.memory_space<vmem>>) attributes {dimension_semantics = [#tpu.dimension_semantics<arbitrary>], iteration_bounds = array<i64: 10>, scalar_prefetch = 0 : i64, scratch_operands = 0 : i64, tpu.core_type = #tpu.core_type<tc>, window_params = [{transform_indices = @transform_0, window_bounds = array<i64: 1000, 256>}, {pipeline_mode = #tpu.pipeline_mode<synchronous>, transform_indices = @transform_1, window_bounds = array<i64: 256, 128>}, {transform_indices = @transform_2, window_bounds = array<i64: 2, 1000, 128>}, {transform_indices = @transform_3, window_bounds = array<i64: 1000, 128>}]} {
    %get3A = arith.constant 0 : index
    %get3A_0 = arith.constant 0 : index
    %get3A_1 = arith.constant 0 : index
    %get3A_2 = vector.load %arg3[%get3A, %get3A_0, %get3A_1] : memref<2x1000x128xf32, #tpu.memory_space<vmem>>, vector<1x1000x128xf32>
    %get3A_3 = vector.shape_cast %get3A_2 : vector<1x1000x128xf32> to vector<1000x128xf32>
    %slice3A = vector.extract_strided_slice %get3A_3 {offsets = [0, 0], sizes = [1000, 1], strides = [1, 1]} : vector<1000x128xf32> to vector<1000x1xf32>
    %get3A_4 = arith.constant 1 : index
    %get3A_5 = arith.constant 0 : index
    %get3A_6 = arith.constant 0 : index
    %get3A_7 = vector.load %arg3[%get3A_4, %get3A_5, %get3A_6] : memref<2x1000x128xf32, #tpu.memory_space<vmem>>, vector<1x1000x128xf32>
    %get3A_8 = vector.shape_cast %get3A_7 : vector<1x1000x128xf32> to vector<1000x128xf32>
    %slice3A_9 = vector.extract_strided_slice %get3A_8 {offsets = [0, 0], sizes = [1000, 1], strides = [1, 1]} : vector<1000x128xf32> to vector<1000x1xf32>
    %add3A = arith.addf %slice3A, %slice3A_9 : vector<1000x1xf32>
    %add3A_10 = arith.constant 2.000000e+00 : f32
    %add3A_11 = vector.broadcast %add3A_10 : f32 to vector<1000x1xf32>
    %add3A_12 = arith.addf %add3A, %add3A_11 : vector<1000x1xf32>
    %gt3A = arith.constant 0.000000e+00 : f32
    %gt3A_13 = vector.broadcast %gt3A : f32 to vector<1000x1xf32>
    %gt3A_14 = arith.cmpf ogt, %add3A_12, %gt3A_13 : vector<1000x1xf32>
    %rsqrt3A = math.rsqrt %add3A_12 : vector<1000x1xf32>
    %jit3A = arith.constant 0.000000e+00 : f32
    %broadcast_in_dim3A = vector.broadcast %jit3A : f32 to vector<1000x1xf32>
    %select_n3A = arith.select %gt3A_14, %rsqrt3A, %broadcast_in_dim3A : vector<1000x1xi1>, vector<1000x1xf32>
    %get3A_15 = arith.constant 0 : index
    %get3A_16 = arith.constant 0 : index
    %get3A_17 = vector.load %arg1[%get3A_15, %get3A_16] : memref<1000x256xf32, #tpu.memory_space<vmem>>, vector<1000x256xf32>
    %get3A_18 = arith.constant 0 : index
    %get3A_19 = arith.constant 0 : index
    %get3A_20 = vector.load %arg2[%get3A_18, %get3A_19] : memref<256x128xf32, #tpu.memory_space<vmem>>, vector<256x128xf32>
    %dot_general3A = arith.constant dense<0.000000e+00> : vector<1000x128xf32>
    %dot_general3A_21 = tpu.matmul %get3A_17, %get3A_20, %dot_general3A {dimension_numbers = #tpu.dot_dimension_numbers<[1], [0], [0], [1], [0, 0, 1, 1], [], []>, transpose_lhs_hint = false} : vector<1000x256xf32>, vector<256x128xf32>, vector<1000x128xf32> -> vector<1000x128xf32>
    %mul3A = vector.broadcast %select_n3A : vector<1000x1xf32> to vector<1000x128xf32>
    %mul3A_22 = arith.mulf %mul3A, %dot_general3A_21 : vector<1000x128xf32>
    %swap3A = arith.constant 0 : index
    %swap3A_23 = arith.constant 0 : index
    %swap3A_24 = vector.load %arg4[%swap3A, %swap3A_23] : memref<1000x128xf32, #tpu.memory_space<vmem>>, vector<1000x128xf32>
    tpu.vector_store %arg4[%swap3A, %swap3A_23], %mul3A_22 {strides = array<i32>} : memref<1000x128xf32, #tpu.memory_space<vmem>>, vector<1000x128xf32>,
    return
  }
  func.func @transform_0(%arg0: i32) -> (i32, i32) {
    %c0_i32 = arith.constant 0 : i32
    %c0_i32_0 = arith.constant 0 : i32
    return %arg0, %c0_i32 : i32, i32
  }
  func.func @transform_1(%arg0: i32) -> (i32, i32) {
    %c0_i32 = arith.constant 0 : i32
    %c0_i32_0 = arith.constant 0 : i32
    %c0_i32_1 = arith.constant 0 : i32
    return %c0_i32, %c0_i32_0 : i32, i32
  }
  func.func @transform_2(%arg0: i32) -> (i32, i32, i32) {
    %c0_i32 = arith.constant 0 : i32
    %c0_i32_0 = arith.constant 0 : i32
    %c0_i32_1 = arith.constant 0 : i32
    return %c0_i32, %arg0, %c0_i32_0 : i32, i32, i32
  }
  func.func @transform_3(%arg0: i32) -> (i32, i32) {
    %c0_i32 = arith.constant 0 : i32
    %c0_i32_0 = arith.constant 0 : i32
    return %arg0, %c0_i32 : i32, i32
  }
}

module attributes {stable_mosaic.version = 14 : i64} {
  func.func @body(%arg0: i32, %arg1: memref<2x1000x128xf32, #tpu.memory_space<vmem>>, %arg2: memref<1000x128xf32, #tpu.memory_space<vmem>>, %arg3: memref<2x1000x128xf32, #tpu.memory_space<vmem>>, %arg4: memref<1x128xf32, #tpu.memory_space<vmem>>, %arg5: memref<128x1xf32, #tpu.memory_space<vmem>>, %arg6: memref<1x1xf32, #tpu.memory_space<vmem>>, %arg7: memref<1000x1xf32, #tpu.memory_space<vmem>>) attributes {dimension_semantics = [#tpu.dimension_semantics<arbitrary>], iteration_bounds = array<i64: 10>, scalar_prefetch = 0 : i64, scratch_operands = 0 : i64, tpu.core_type = #tpu.core_type<tc>, window_params = [{transform_indices = @transform_0, window_bounds = array<i64: 2, 1000, 128>}, {transform_indices = @transform_1, window_bounds = array<i64: 1000, 128>}, {transform_indices = @transform_2, window_bounds = array<i64: 2, 1000, 128>}, {pipeline_mode = #tpu.pipeline_mode<synchronous>, transform_indices = @transform_3, window_bounds = array<i64: 1, 128>}, {pipeline_mode = #tpu.pipeline_mode<synchronous>, transform_indices = @transform_4, window_bounds = array<i64: 128, 1>}, {pipeline_mode = #tpu.pipeline_mode<synchronous>, transform_indices = @transform_5, window_bounds = array<i64: 1, 1>}, {transform_indices = @transform_6, window_bounds = array<i64: 1000, 1>}]} {
    %get3A = arith.constant 0 : index
    %get3A_0 = arith.constant 0 : index
    %get3A_1 = arith.constant 0 : index
    %get3A_2 = vector.load %arg3[%get3A, %get3A_0, %get3A_1] : memref<2x1000x128xf32, #tpu.memory_space<vmem>>, vector<1x1000x128xf32>
    %get3A_3 = vector.shape_cast %get3A_2 : vector<1x1000x128xf32> to vector<1000x128xf32>
    %slice3A = vector.extract_strided_slice %get3A_3 {offsets = [0, 0], sizes = [1000, 1], strides = [1, 1]} : vector<1000x128xf32> to vector<1000x1xf32>
    %get3A_4 = arith.constant 1 : index
    %get3A_5 = arith.constant 0 : index
    %get3A_6 = arith.constant 0 : index
    %get3A_7 = vector.load %arg3[%get3A_4, %get3A_5, %get3A_6] : memref<2x1000x128xf32, #tpu.memory_space<vmem>>, vector<1x1000x128xf32>
    %get3A_8 = vector.shape_cast %get3A_7 : vector<1x1000x128xf32> to vector<1000x128xf32>
    %slice3A_9 = vector.extract_strided_slice %get3A_8 {offsets = [0, 0], sizes = [1000, 1], strides = [1, 1]} : vector<1000x128xf32> to vector<1000x1xf32>
    %add3A = arith.addf %slice3A, %slice3A_9 : vector<1000x1xf32>
    %add3A_10 = arith.constant 2.000000e+00 : f32
    %add3A_11 = vector.broadcast %add3A_10 : f32 to vector<1000x1xf32>
    %add3A_12 = arith.addf %add3A, %add3A_11 : vector<1000x1xf32>
    %gt3A = arith.constant 0.000000e+00 : f32
    %gt3A_13 = vector.broadcast %gt3A : f32 to vector<1000x1xf32>
    %gt3A_14 = arith.cmpf ogt, %add3A_12, %gt3A_13 : vector<1000x1xf32>
    %rsqrt3A = math.rsqrt %add3A_12 : vector<1000x1xf32>
    %jit3A = arith.constant 0.000000e+00 : f32
    %broadcast_in_dim3A = vector.broadcast %jit3A : f32 to vector<1000x1xf32>
    %select_n3A = arith.select %gt3A_14, %rsqrt3A, %broadcast_in_dim3A : vector<1000x1xi1>, vector<1000x1xf32>
    %get3A_15 = arith.constant 0 : index
    %get3A_16 = arith.constant 0 : index
    %get3A_17 = arith.constant 0 : index
    %get3A_18 = vector.load %arg1[%get3A_15, %get3A_16, %get3A_17] : memref<2x1000x128xf32, #tpu.memory_space<vmem>>, vector<1x1000x128xf32>
    %get3A_19 = vector.shape_cast %get3A_18 : vector<1x1000x128xf32> to vector<1000x128xf32>
    %get3A_20 = arith.constant 1 : index
    %get3A_21 = arith.constant 0 : index
    %get3A_22 = arith.constant 0 : index
    %get3A_23 = vector.load %arg1[%get3A_20, %get3A_21, %get3A_22] : memref<2x1000x128xf32, #tpu.memory_space<vmem>>, vector<1x1000x128xf32>
    %get3A_24 = vector.shape_cast %get3A_23 : vector<1x1000x128xf32> to vector<1000x128xf32>
    %add3A_25 = arith.addf %get3A_19, %get3A_24 : vector<1000x128xf32>
    %get3A_26 = arith.constant 0 : index
    %get3A_27 = arith.constant 0 : index
    %get3A_28 = vector.load %arg2[%get3A_26, %get3A_27] : memref<1000x128xf32, #tpu.memory_space<vmem>>, vector<1000x128xf32>
    %mul3A = arith.constant 2.000000e+00 : f32
    %mul3A_29 = vector.broadcast %mul3A : f32 to vector<1000x128xf32>
    %mul3A_30 = arith.mulf %mul3A_29, %get3A_28 : vector<1000x128xf32>
    %add3A_31 = arith.addf %add3A_25, %mul3A_30 : vector<1000x128xf32>
    %mul3A_32 = vector.broadcast %select_n3A : vector<1000x1xf32> to vector<1000x128xf32>
    %mul3A_33 = arith.mulf %mul3A_32, %add3A_31 : vector<1000x128xf32>
    %get3A_34 = arith.constant 0 : index
    %get3A_35 = arith.constant 0 : index
    %get3A_36 = vector.load %arg4[%get3A_34, %get3A_35] : memref<1x128xf32, #tpu.memory_space<vmem>>, vector<1x128xf32>
    %add3A_37 = vector.broadcast %get3A_36 : vector<1x128xf32> to vector<1000x128xf32>
    %add3A_38 = arith.addf %mul3A_33, %add3A_37 : vector<1000x128xf32>
    %max3A = arith.constant 0.000000e+00 : f32
    %max3A_39 = vector.broadcast %max3A : f32 to vector<1000x128xf32>
    %max3A_40 = arith.maximumf %add3A_38, %max3A_39 : vector<1000x128xf32>
    %get3A_41 = arith.constant 0 : index
    %get3A_42 = arith.constant 0 : index
    %get3A_43 = vector.load %arg5[%get3A_41, %get3A_42] : memref<128x1xf32, #tpu.memory_space<vmem>>, vector<128x1xf32>
    %dot_general3A = arith.constant dense<0.000000e+00> : vector<1000x1xf32>
    %dot_general3A_44 = tpu.matmul %max3A_40, %get3A_43, %dot_general3A {dimension_numbers = #tpu.dot_dimension_numbers<[1], [0], [0], [1], [0, 0, 1, 1], [], []>, transpose_lhs_hint = false} : vector<1000x128xf32>, vector<128x1xf32>, vector<1000x1xf32> -> vector<1000x1xf32>
    %get3A_45 = arith.constant 0 : index
    %get3A_46 = arith.constant 0 : index
    %get3A_47 = vector.load %arg6[%get3A_45, %get3A_46] : memref<1x1xf32, #tpu.memory_space<vmem>>, vector<1x1xf32>
    %get3A_48 = vector.extract %get3A_47[0, 0] : f32 from vector<1x1xf32>
    %add3A_49 = vector.broadcast %get3A_48 : f32 to vector<1000x1xf32>
    %add3A_50 = arith.addf %dot_general3A_44, %add3A_49 : vector<1000x1xf32>
    %logistic3A = arith.negf %add3A_50 : vector<1000x1xf32>
    %logistic3A_51 = math.exp %logistic3A : vector<1000x1xf32>
    %logistic3A_52 = arith.constant 1.000000e+00 : f32
    %logistic3A_53 = vector.broadcast %logistic3A_52 : f32 to vector<1000x1xf32>
    %logistic3A_54 = arith.addf %logistic3A_53, %logistic3A_51 : vector<1000x1xf32>
    %logistic3A_55 = arith.divf %logistic3A_53, %logistic3A_54 : vector<1000x1xf32>
    %swap3A = arith.constant 0 : index
    %swap3A_56 = arith.constant 0 : index
    %swap3A_57 = vector.load %arg7[%swap3A, %swap3A_56] : memref<1000x1xf32, #tpu.memory_space<vmem>>, vector<1000x1xf32>
    tpu.vector_store %arg7[%swap3A, %swap3A_56], %logistic3A_55 {strides = array<i32>} : memref<1000x1xf32, #tpu.memory_space<vmem>>, vector<1000x1xf32>,
    return
  }
  func.func @transform_0(%arg0: i32) -> (i32, i32, i32) {
    %c0_i32 = arith.constant 0 : i32
    %c0_i32_0 = arith.constant 0 : i32
    %c0_i32_1 = arith.constant 0 : i32
    return %c0_i32, %arg0, %c0_i32_0 : i32, i32, i32
  }
  func.func @transform_1(%arg0: i32) -> (i32, i32) {
    %c0_i32 = arith.constant 0 : i32
    %c0_i32_0 = arith.constant 0 : i32
    return %arg0, %c0_i32 : i32, i32
  }
  func.func @transform_2(%arg0: i32) -> (i32, i32, i32) {
    %c0_i32 = arith.constant 0 : i32
    %c0_i32_0 = arith.constant 0 : i32
    %c0_i32_1 = arith.constant 0 : i32
    return %c0_i32, %arg0, %c0_i32_0 : i32, i32, i32
  }
  func.func @transform_3(%arg0: i32) -> (i32, i32) {
    %c0_i32 = arith.constant 0 : i32
    %c0_i32_0 = arith.constant 0 : i32
    %c0_i32_1 = arith.constant 0 : i32
    return %c0_i32, %c0_i32_0 : i32, i32
  }
  func.func @transform_4(%arg0: i32) -> (i32, i32) {
    %c0_i32 = arith.constant 0 : i32
    %c0_i32_0 = arith.constant 0 : i32
    %c0_i32_1 = arith.constant 0 : i32
    return %c0_i32, %c0_i32_0 : i32, i32
  }
  func.func @transform_5(%arg0: i32) -> (i32, i32) {
    %c0_i32 = arith.constant 0 : i32
    %c0_i32_0 = arith.constant 0 : i32
    %c0_i32_1 = arith.constant 0 : i32
    return %c0_i32, %c0_i32_0 : i32, i32
  }
  func.func @transform_6(%arg0: i32) -> (i32, i32) {
    %c0_i32 = arith.constant 0 : i32
    %c0_i32_0 = arith.constant 0 : i32
    return %arg0, %c0_i32 : i32, i32
  }
}

</mosaic_0001>

<sc_bundles>
// kernel: kernel.10.cloned.1.call-start
scs
__scs_entry_jumppad:
0x0: {  	(pc) =	sbr.rel $0x88, $3  }
0x1: {  	(tag) =	ssettag $0x0;
	lr =	simm.s32 $0x1  }
0x2: {  	[smem:$0x3F97] =	sst lr;
	_ =	strace $0xD0000000  }
0x3: {  	_ = 	snop  }
0x4: {  	_ = 	snop  }
0x5: {  	_ = 	snop  }
0x6: {  	_ = 	snop  }
0x7: {  	_ = 	snop  }
__scs_overlays_trampoline_lowered:
0x8: {  	[smem:$0x3FA6] =	sst s0  }
0x9: {  	[smem:$0x3FA7] =	sst s1  }
0xa: {  	[smem:$0x3FA8] =	sst s2  }
0xb: {  	[smem:$0x3FA9] =	sst s3  }
0xc: {  	[smem:$0x3FAA] =	sst s4  }
0xd: {  	[smem:$0x3FAB] =	sst s5  }
0xe: {  	[smem:$0x3FAC] =	sst s6  }
0xf: {  	[smem:$0x3FAD] =	sst s7  }
0x10: {  	[smem:$0x3FAE] =	sst s8  }
0x11: {  	[smem:$0x3FAF] =	sst s9;
	s0 =	simm.s32 @!p0 $0x0  }
0x12: {  	s1 =	sld [smem:$0x3F95];
	s0 =	simm.s32 @p0 $0x1  }
0x13: {  	[smem:$0x3FB0] =	sst s0;
	s0 =	simm.s32 @!p1 $0x0  }
0x14: {  	s2 =	sld [smem:$0x3F94];
	s0 =	simm.s32 @p1 $0x1  }
0x15: {  	[smem:$0x3FB1] =	sst s0;
	s0 =	simm.s32 @!p2 $0x0  }
0x16: {  	s3 =	sld [smem:$0x3FDB];
	s0 =	simm.s32 @p2 $0x1  }
0x17: {  	s4 =	simm.s32 $0x1BF5;
	[smem:$0x3FB3] =	sst s0  }
0x18: {  	s0 =	sld [smem:$0x3F96];
	_ =	swait.ge [sflag:s4], $0x0  }
0x19: {  	s7 =	sld [smem:$0x3F97]  }
0x1a: {  	s8 =	sadd.s32 $0xFFFFE003, lr  }
0x1b: {  	s9 =	sadd.s32 $0xFFFFFEF7, lr;
	s5 =	simm.s32 $0xFFFFFFFF;
	p2 =	slt.u32 s8, $0xFFFFF086  }
0x1c: {  	p1 =	slt.u32 s9, $0xF7A;
	s5 =	simm.s32 @!p2 $0x0  }
0x1d: {  	s5 =	simm.s32 @p1 $0x1;
	p0 =	seq.s32 s7, s2  }
0x1e: {  	s7 =	smul.u32 @!p0 $0xF7A, s2;
	p2 =	seq.s32 @!p0 s5, $0x0  }
0x1f: {  	s9 =	smul.u32 $0xF7A, s1;
	s8 =	simm.s32 @!p0 $0x1BF5;
	p2 =	por !p2, p0  }
0x20: {  	[sflag:s8] =	ssyncset.s32 @!p0 $0xFFFFF086;
	s6 =	sadd.s32 @!p0 s3, s7;
	s7 =	simm.s32 @!p0 $0x108  }
0x21: {  	s3 =	sadd.s32 s3, s9;
	s6 =	sadd.s32 @!p0 $0x88, s6;
	s7 =	simm.s32 @p2 $0x1082  }
0x22: {  	[simem:s7], [sflag:s8] =	dma.local @!p0 [hbm:s6], $0xF7A  }
0x23: {  	s9 =	sor.u32 $0xD0000000, s2;
	s6 =	simm.s32 $0x108;
	_ =	swait.ge @!p0 [sflag:s8], $0x0  }
0x24: {  	s3 =	sadd.s32 $0x88, s3;
	s6 =	simm.s32 @!p1 $0x1082;
	[sflag:s4] =	ssyncset.s32 $0xFFFFF086  }
0x25: {  	[simem:s6], [sflag:s4] =	dma.local [hbm:s3], $0xF7A  }
0x26: {  	[smem:$0x3F97] =	sst s1;
	(tag) =	ssettag s2;
	_ =	strace s9  }
0x27: {  	s1 =	sld [smem:$0x3FA7]  }
0x28: {  	s2 =	sld [smem:$0x3FA8]  }
0x29: {  	s4 =	sld [smem:$0x3FAA]  }
0x2a: {  	p0 =	seq.s32 s5, $0x0;
	s5 =	sld [smem:$0x3FAB]  }
0x2b: {  	s6 =	sld [smem:$0x3FAC]  }
0x2c: {  	s7 =	sld [smem:$0x3FAD]  }
0x2d: {  	s3 =	simm.s32 $0x108;
	s8 =	sld [smem:$0x3FAE]  }
0x2e: {  	s3 =	simm.s32 @!p0 $0x1082;
	s9 =	sld [smem:$0x3FAF]  }
0x2f: {  	lr =	sadd.s32 s0, s3;
	s0 =	sld [smem:$0x3FA6]  }
0x30: {  	s3 =	sld [smem:$0x3FA9]  }
0x31: {  	[smem:$0x3FB2] =	sst s10  }
0x32: {  	s10 =	sld [smem:$0x3FB0];
	_ =	sdelay $0x3  }
0x33: {  	p0 =	seq.s32 s10, $0x1;
	s10 =	sld [smem:$0x3FB2];
	_ =	sdelay $0x3  }
0x34: {  	[smem:$0x3FB2] =	sst s10  }
0x35: {  	s10 =	sld [smem:$0x3FB1];
	_ =	sdelay $0x3  }
0x36: {  	p1 =	seq.s32 s10, $0x1;
	s10 =	sld [smem:$0x3FB2];
	_ =	sdelay $0x3  }
0x37: {  	[smem:$0x3FB2] =	sst s10  }
0x38: {  	s10 =	sld [smem:$0x3FB3]  }
0x39: {  	_ = 	snop;
	(pc) =	sbr.ind lr, $3  }
0x3a: {  	_ = 	snop  }
0x3b: {  	_ = 	snop  }
0x3c: {  	p2 =	seq.s32 s10, $0x1;
	s10 =	sld [smem:$0x3FB2]  }
0x3d: {  	_ =	shalt  }
0x3e: {  	_ =	shalt  }
0x3f: {  	_ =	shalt  }
0x40: {  	_ =	shalt  }
0x41: {  	_ =	shalt  }
0x42: {  	_ =	shalt  }
0x43: {  	_ =	shalt  }
0x44: {  	_ =	shalt  }
0x45: {  	_ =	shalt  }
0x46: {  	_ =	shalt  }
0x47: {  	_ =	shalt  }
0x48: {  	_ =	shalt  }
0x49: {  	_ =	shalt  }
0x4a: {  	_ =	shalt  }
0x4b: {  	_ =	shalt  }
0x4c: {  	_ =	shalt  }
0x4d: {  	_ =	shalt  }
0x4e: {  	_ =	shalt  }
0x4f: {  	_ =	shalt  }
0x50: {  	_ =	shalt  }
0x51: {  	_ =	shalt  }
0x52: {  	_ =	shalt  }
0x53: {  	_ =	shalt  }
0x54: {  	_ =	shalt  }
0x55: {  	_ =	shalt  }
0x56: {  	_ =	shalt  }
0x57: {  	_ =	shalt  }
0x58: {  	_ =	shalt  }
0x59: {  	_ =	shalt  }
0x5a: {  	_ =	shalt  }
0x5b: {  	_ =	shalt  }
0x5c: {  	_ =	shalt  }
0x5d: {  	_ =	shalt  }
0x5e: {  	_ =	shalt  }
0x5f: {  	_ =	shalt  }
0x60: {  	_ =	shalt  }
0x61: {  	_ =	shalt  }
0x62: {  	_ =	shalt  }
0x63: {  	_ =	shalt  }
0x64: {  	_ =	shalt  }
0x65: {  	_ =	shalt  }
0x66: {  	_ =	shalt  }
0x67: {  	_ =	shalt  }
0x68: {  	_ =	shalt  }
0x69: {  	_ =	shalt  }
0x6a: {  	_ =	shalt  }
0x6b: {  	_ =	shalt  }
0x6c: {  	_ =	shalt  }
0x6d: {  	_ =	shalt  }
0x6e: {  	_ =	shalt  }
0x6f: {  	_ =	shalt  }
0x70: {  	_ =	shalt  }
0x71: {  	_ =	shalt  }
0x72: {  	_ =	shalt  }
0x73: {  	_ =	shalt  }
0x74: {  	_ =	shalt  }
0x75: {  	_ =	shalt  }
0x76: {  	_ =	shalt  }
0x77: {  	_ =	shalt  }
0x78: {  	_ =	shalt  }
0x79: {  	_ =	shalt  }
0x7a: {  	_ =	shalt  }
0x7b: {  	_ =	shalt  }
0x7c: {  	_ =	shalt  }
0x7d: {  	_ =	shalt  }
0x7e: {  	_ =	shalt  }
0x7f: {  	_ =	shalt  }
0x80: {  	_ =	shalt  }
0x81: {  	_ =	shalt  }
0x82: {  	_ =	shalt  }
0x83: {  	_ =	shalt  }
0x84: {  	_ =	shalt  }
0x85: {  	_ =	shalt  }
0x86: {  	_ =	shalt  }
0x87: {  	_ =	shalt  }
.Lfunc_end0:
.L_simem_size_0:
called_computation_lowered:
.L_overlay_start_0:
0x88: {  	s2 =	sld [smem:$0x3FD9]  }
0x89: {  	s3 =	sld [smem:$0x3FFE];
	_ =	sdelay $0x1  }
0x8a: {  	s1 =	srdreg.scid  }
0x8b: {  	s0 =	sand.u32 $0x1, s1  }
0x8c: {  	s16 =	sshll.u32 s0, $0xA;
	s2 =	sadd.s32 s3, s2  }
0x8d: {  	s2 =	sadd.s32 s2, s16  }
0x8e: {  	[smem:$0x3FBE] =	sst s2  }
0x8f: {  	_ = 	snop  }
0x90: {  	(tm) =	ssettm $0x1  }
0x91: {  	s17 =	sld [smem:$0x3FFB];
	_ =	sdelay $0x3  }
0x92: {  	_ =	strace s17  }
0x93: {  	s2 =	sld [smem:$0x3FFC];
	_ =	sdelay $0x3  }
0x94: {  	_ =	strace s2  }
0x95: {  	s2 =	sld [smem:$0x3FFD];
	_ =	sdelay $0x3  }
0x96: {  	_ =	strace s2  }
0x97: {  	_ =	strace $0x8FFFFFFF  }
0x98: {  	s18 =	sld [smem:$0x3FDB];
	_ =	sdelay $0x1  }
0x99: {  	s19 =	simm.s32 $_scs_section_size  }
0x9a: {  	s4 =	simm.s32 $_size__tile_overlayer_lowered;
	s5 =	simm.s32 $_tile_overlayer_lowered  }
0x9b: {  	s22 =	simm.s32 $0x1BFF;
	s21 =	sshll.u32 s5, $0x1;
	s2 =	sadd.s32 s19, s18  }
0x9c: {  	s6 =	simm.s32 $0x0;
	s20 =	sshll.u32 s4, $0x1;
	s4 =	sadd.s32 s21, s2  }
0x9d: {  	[timem:s6], [sflag:s22] =	dma.local [hbm:s4], s20  }
0x9e: {  	_ =	swait.ge [sflag:s22], s20  }
0x9f: {  	s3 =	ssub.s32 $0x0, s20;
	[sflag:s22] =	ssyncset.done $0x0  }
0xa0: {  	[sflag:s22] =	ssyncadd.s32 s3;
	_ =	sdelay $0x1  }
0xa1: {  	s23 =	simm.s32 $0x1B8B  }
0xa2: {  	_ =	swait.ge [sflag:s23], $0x1  }
0xa3: {  	[sflag:s23] =	ssyncset.done $0x0  }
0xa4: {  	s25 =	simm.s32 $0x1B8E;
	s24 =	sld [smem:$0x3FFE];
	[sflag:s23] =	ssyncadd.s32 $0xFFFFFFFF  }
0xa5: {  	s26 =	simm.s32 $execute0_lowered;
	[smem:$0x3FD2] =	sst s25  }
0xa6: {  	s4 =	sshll.u32 s26, $0x1;
	_ =	strace $0x80000046;
	[dreg:$0x1] =	wrdreg $0xFFFFFFFF  }
0xa7: {  	s28 =	simm.s32 $_size_execute0_lowered;
	s2 =	sadd.s32 s2, s4;
	[dreg:$0x0] =	wrdreg $0x0  }
0xa8: {  	s4 =	sshll.u32 s28, $0x1;
	[dreg:$0x2] =	wrdreg s2  }
0xa9: {  	[dreg:$0x3] =	wrdreg s4  }
0xaa: {  	[dreg:$0x4] =	wrdreg $0xC0  }
0xab: {  	_ =	task [dreg:s6], $0x5FFFF  }
0xac: {  	[dreg:$0x1] =	wrdreg $0xFFFFFFFF  }
0xad: {  	[dreg:$0x0] =	wrdreg $0x60  }
0xae: {  	[dreg:$0x2] =	wrdreg s24  }
0xaf: {  	[dreg:$0x3] =	wrdreg $0x14800  }
0xb0: {  	[dreg:$0x4] =	wrdreg $0x9  }
0xb1: {  	_ =	task.clear_ibuf [dreg:s6], $0x5FFFF;
	_ =	strace $0x90000046  }
0xb2: {  	s29 =	simm.s32 $0x9;
	_ =	strace $0x80000048  }
0xb3: {  	_ =	swait.ge [sflag:s29], $0x1  }
0xb4: {  	[sflag:s29] =	ssyncadd.s32 $0xFFFFFFFF  }
0xb5: {  	_ =	strace $0x90000048  }
0xb6: {  	_ =	sfence  }
0xb7: {  	s30 =	sld [smem:$0x0];
	_ =	sdelay $0x2  }
0xb8: {  	s31 =	sshll.u32 s1, $0xD;
	s1 =	sshrl.u32 s1, $0x2  }
0xb9: {  	s3 =	sand.u32 $0x4000, s31;
	s1 =	sadd.s32 s1, s30  }
0xba: {  	s0 =	sor.u32 s3, s0;
	s1 =	sshll.u32 s1, $0x11  }
0xbb: {  	s0 =	sor.u32 s1, s0  }
0xbc: {  	s0 =	sadd.s32 $0x8F2B, s0  }
0xbd: {  	[sflag:s0] =	ssyncadd.remote.s32 $0x1  }
0xbe: {  	_ =	sfence.sel $0xFFFF  }
0xbf: {  	[dreg:$0x0] =	wrdreg $0xFFFFFFFF;
	(pc) =	sbr.abs _section_cstart, $3  }
0xc0: {  	[dreg:$0x1] =	wrdreg $0xFFFFFFFF  }
0xc1: {  	_ =	task.clear_ibuf [dreg:s6], $0x2FFFF;
	_ =	strace $0x9FFFFFFF  }
0xc2: {  	(tm) =	ssettm $0x7FFFFFFF  }
0xc3: {  	_ =	shalt  }
tec
execute0_lowered:
.L_overlay_start_1:
0x0: {  	(tag) =	ssettag $0x1  }
0x1: {  	s1 =	srdreg.scid  }
0x2: {  	s0 =	stileid.u32;
	s5 =	rddreg [dreg:$0x0]  }
0x3: {  	s2 =	rddreg [dreg:$0x1];
	s4 =	smul.u32 $0x2760, s0  }
0x4: {  	s3 =	simm.s32 $0x0;
	s12 =	simm.s32 $0x80;
	s26 =	smul.u32 $0x2780, s0  }
0x5: {  	s6 =	sand.u32 $0x1, s1;
	s1 =	rddreg [dreg:$0x2];
	s10 =	smul.u32 $0x4F000, s0  }
0x6: {  	s13 =	simm.s32 $0x0;
	[smem:$0x7FF] =	sst s3;
	s7 =	smul.u32 $0x13B0, s6  }
0x7: {  	s31 =	sshll.u32 s0, $0x6;
	s8 =	smul.u32 $0x27800, s6;
	s6 =	ssub.s32 $0x2, s6  }
0x8: {  	_ =	strace $0x80000047;
	s28 =	sshrl.u32 s6, $0x1;
	s29 =	sshrl.u32 s10, $0x2  }
0x9: {  	s10 =	simm.s32 $0x1;
	s4 =	sadd.s32 s7, s4;
	s7 =	sadd.s32 s26, s8  }
0xa: {  	s30 =	ssub.s32 s6, s28;
	s11 =	sadd.s32 s29, s2;
	s4 =	sshrl.u32 s4, $0x3  }
0xb: {  	s7 =	sadd.s32 s7, s5;
	s9 =	sadd.s32 s4, s5;
	s4 =	sadd.s32 $0x8400, s5  }
0xc: {  	s5 =	sor.u32 $0x1C01, s31;
	s6 =	sadd.s32 $0xAC00, s7;
	s7 =	smax.u32 s30, $0x1  }
0xd: {  	v0 =	vimm.f32 $1.000000000e+00;
	s8 =	sadd.s32 $0x3400, s9;
	s9 =	sshrl.u32 s11, $0x3;
	s11 =	simm.s32 $0x28  }
.LBB2_1:
0xe: {  	s14 =	sand.u32 $0x7E00, s3  }
0xf: {  	s15 =	sand.u32 $0x70, s3;
	s16 =	sshrl.u32 s14, $0x2  }
0x10: {  	s14 =	simm.s32 $0x40;
	s16 =	sor.u32 s15, s16;
	s15 =	simm.s32 $0x0  }
.LBB2_2:
0x11: {  	p0 =	sne.s32 s14, $0x4FC0  }
0x12: {  	[tilespmem:s16+$0x80] =	vst v0;
	s15 =	sadd.s32 $0x10, s15;
	s16 =	smov.u32 s14;
	s14 =	sadd.s32 $0x40, s14  }
.Ltmp0:
0x13: {  	(pc) =	sbr.rel @p0 .LBB2_2-.Ltmp0, $4  }
0x14: {  	_ = 	snop  }
0x15: {  	s16 =	sand.u32 $0x7E00, s16  }
0x16: {  	s17 =	sand.u32 $0x70, s15;
	s16 =	sshrl.u32 s16, $0x2  }
0x17: {  	s16 =	sor.u32 s17, s16  }
0x18: {  	[tilespmem:s16+$0x80] =	vst v0  }
0x19: {  	[spmem:s9], [sflag:s5] =	dma.local [hbm:s4], $0x2780  }
0x1a: {  	_ =	swait.ge [sflag:s10], $0x2780  }
0x1b: {  	[sflag:s10] =	ssyncset.done $0x0  }
0x1c: {  	[sflag:s10] =	ssyncadd.s32 $0xFFFFD880  }
0x1d: {  	s14 =	sadd.s32 $0x0, s8;
	[bflag:$0x0] =	sbarrier.arrive $0xFFFF  }
0x1e: {  	[tilespmem:s3], [sflag:$0x1] =	stream.linear.gather [hbm4b:s14+s3], $0x28, $0x38;
	[tilespmem:$0x15080] =	vst v63  }
0x1f: {  	_ =	swait.ge [sflag:s10], $0x28  }
0x20: {  	[sflag:s10] =	ssyncset.done $0x0  }
0x21: {  	[sflag:s10] =	ssyncadd.s32 $0xFFFFFFD8  }
0x22: {  	[spmem:s2] =	stream.indirect.scatter.add.f32 [tilespmem:s12], [sflag:$0x1], $0x80, s3, s11, $0xb8;
	[tilespmem:$0x15080] =	vst v63  }
0x23: {  	_ =	swait.ge [sflag:s10], $0x1400  }
0x24: {  	s15 =	simm.s32 $0xA;
	s14 =	simm.s32 $0x5;
	[sflag:s10] =	ssyncset.done $0x0  }
.LBB2_4:
0x25: {  	s16 =	sadd.s32 s14, s8  }
0x26: {  	[sflag:s10] =	ssyncadd.s32 $0xFFFFEC00;
	s14 =	smov.u32 s15;
	s17 =	sadd.s32 $0x5, s15  }
0x27: {  	[tilespmem:s3], [sflag:$0x1] =	stream.linear.gather [hbm4b:s16+s3], $0x28, $0x38;
	[tilespmem:$0x15080] =	vst v63  }
0x28: {  	p0 =	sne.s32 s15, $0x271;
	_ =	swait.ge [sflag:s10], $0x28  }
.Ltmp1:
0x29: {  	[sflag:s10] =	ssyncset.done $0x0;
	(pc) =	sbr.rel @p0 .LBB2_4-.Ltmp1, $4  }
0x2a: {  	[sflag:s10] =	ssyncadd.s32 $0xFFFFFFD8  }
0x2b: {  	[spmem:s2] =	stream.indirect.scatter.add.f32 [tilespmem:s12], [sflag:$0x1], $0x80, s3, s11, $0xb8;
	[tilespmem:$0x15080] =	vst v63  }
0x2c: {  	_ =	swait.ge [sflag:s10], $0x1400  }
0x2d: {  	s15 =	smov.u32 s17;
	[sflag:s10] =	ssyncset.done $0x0  }
0x2e: {  	s14 =	sadd.s32 s14, s8;
	[sflag:s10] =	ssyncadd.s32 $0xFFFFEC00  }
0x2f: {  	[tilespmem:s3], [sflag:$0x1] =	stream.linear.gather [hbm4b:s14+s3], $0x28, $0x38;
	[tilespmem:$0x15080] =	vst v63  }
0x30: {  	_ =	swait.ge [sflag:s10], $0x28  }
0x31: {  	[sflag:s10] =	ssyncset.done $0x0  }
0x32: {  	[sflag:s10] =	ssyncadd.s32 $0xFFFFFFD8  }
0x33: {  	[spmem:s2] =	stream.indirect.scatter.add.f32 [tilespmem:s12], [sflag:$0x1], $0x80, s3, s11, $0xb8;
	[tilespmem:$0x15080] =	vst v63  }
0x34: {  	_ =	swait.ge [sflag:s10], $0x1400  }
0x35: {  	s13 =	sadd.s32 $0x1, s13;
	[sflag:s10] =	ssyncset.done $0x0  }
0x36: {  	p0 =	sne.s32 s13, s7;
	[sflag:s10] =	ssyncadd.s32 $0xFFFFEC00  }
.Ltmp2:
0x37: {  	[bflag:$0x0] =	sbarrier.arrive $0xFFFF;
	(pc) =	sbr.rel @p0 .LBB2_1-.Ltmp2, $4  }
0x38: {  	[hbm:s6], [sflag:s5] =	dma.local [spmem:s9], $0x2780  }
0x39: {  	_ =	swait.ge [sflag:s10], $0x2780  }
0x3a: {  	[sflag:s10] =	ssyncset.done $0x0  }
0x3b: {  	[sflag:s10] =	ssyncadd.s32 $0xFFFFD880  }
0x3c: {  	_ =	sfence.sel $0x180000  }
0x3d: {  	[bflag:$0x0] =	sbarrier.arrive $0xFFFF  }
0x3e: {  	p0 =	sne.s32 s0, $0x0;
	_ =	strace $0x90000047  }
0x3f: {  	s0 =	sadd.s32 @!p0 $0x100000, s1;
	[bflag:$0x2] =	sbarrier.arrive $0xFFFF  }
0x40: {  	[sflag:s0] =	ssyncadd.tile.s32 @!p0 $0x1;
	_ =	shalt  }
.Lfunc_end2:
_tile_overlayer_lowered:
.L_overlay_start_2:
0x41: {  	(tag) =	ssettag $0x2  }
0x42: {  	s0 =	rddreg [dreg:$0x0];
	s2 =	stileid.u32  }
0x43: {  	s1 =	rddreg [dreg:$0x1];
	p0 =	sne.s32 s2, $0x0  }
0x44: {  	s3 =	rddreg [dreg:$0x2];
	[bflag:$0x3] =	sbarrier.arrive $0xFFFF;
	s2 =	simm.s32 @!p0 $0x1C01  }
0x45: {  	[timem:s3], [sflag:s2] =	dma.local @!p0 [hbm:s0], s1  }
0x46: {  	s0 =	simm.s32 @!p0 $0x1  }
0x47: {  	_ =	swait.ge @!p0 [sflag:s0], s1  }
0x48: {  	s1 =	ssub.s32 @!p0 $0x0, s1;
	[sflag:s0] =	ssyncset.done @!p0 $0x0  }
0x49: {  	[sflag:s0] =	ssyncadd.s32 @!p0 s1  }
0x4a: {  	[bflag:$0x3] =	sbarrier.arrive $0xFFFF  }
0x4b: {  	_ =	shalt  }

// kernel: kernel.13.cloned.1.call-start
scs
__scs_entry_jumppad:
0x0: {  	(pc) =	sbr.rel $0x88, $3  }
0x1: {  	(tag) =	ssettag $0x0;
	lr =	simm.s32 $0x1  }
0x2: {  	[smem:$0x3F97] =	sst lr;
	_ =	strace $0xD0000000  }
0x3: {  	_ = 	snop  }
0x4: {  	_ = 	snop  }
0x5: {  	_ = 	snop  }
0x6: {  	_ = 	snop  }
0x7: {  	_ = 	snop  }
__scs_overlays_trampoline_lowered:
0x8: {  	[smem:$0x3FA6] =	sst s0  }
0x9: {  	[smem:$0x3FA7] =	sst s1  }
0xa: {  	[smem:$0x3FA8] =	sst s2  }
0xb: {  	[smem:$0x3FA9] =	sst s3  }
0xc: {  	[smem:$0x3FAA] =	sst s4  }
0xd: {  	[smem:$0x3FAB] =	sst s5  }
0xe: {  	[smem:$0x3FAC] =	sst s6  }
0xf: {  	[smem:$0x3FAD] =	sst s7  }
0x10: {  	[smem:$0x3FAE] =	sst s8  }
0x11: {  	[smem:$0x3FAF] =	sst s9;
	s0 =	simm.s32 @!p0 $0x0  }
0x12: {  	s1 =	sld [smem:$0x3F95];
	s0 =	simm.s32 @p0 $0x1  }
0x13: {  	[smem:$0x3FB0] =	sst s0;
	s0 =	simm.s32 @!p1 $0x0  }
0x14: {  	s2 =	sld [smem:$0x3F94];
	s0 =	simm.s32 @p1 $0x1  }
0x15: {  	[smem:$0x3FB1] =	sst s0;
	s0 =	simm.s32 @!p2 $0x0  }
0x16: {  	s3 =	sld [smem:$0x3FDB];
	s0 =	simm.s32 @p2 $0x1  }
0x17: {  	s4 =	simm.s32 $0x1BF5;
	[smem:$0x3FB3] =	sst s0  }
0x18: {  	s0 =	sld [smem:$0x3F96];
	_ =	swait.ge [sflag:s4], $0x0  }
0x19: {  	s7 =	sld [smem:$0x3F97]  }
0x1a: {  	s8 =	sadd.s32 $0xFFFFE003, lr  }
0x1b: {  	s9 =	sadd.s32 $0xFFFFFEF7, lr;
	s5 =	simm.s32 $0xFFFFFFFF;
	p2 =	slt.u32 s8, $0xFFFFF086  }
0x1c: {  	p1 =	slt.u32 s9, $0xF7A;
	s5 =	simm.s32 @!p2 $0x0  }
0x1d: {  	s5 =	simm.s32 @p1 $0x1;
	p0 =	seq.s32 s7, s2  }
0x1e: {  	s7 =	smul.u32 @!p0 $0xF7A, s2;
	p2 =	seq.s32 @!p0 s5, $0x0  }
0x1f: {  	s9 =	smul.u32 $0xF7A, s1;
	s8 =	simm.s32 @!p0 $0x1BF5;
	p2 =	por !p2, p0  }
0x20: {  	[sflag:s8] =	ssyncset.s32 @!p0 $0xFFFFF086;
	s6 =	sadd.s32 @!p0 s3, s7;
	s7 =	simm.s32 @!p0 $0x108  }
0x21: {  	s3 =	sadd.s32 s3, s9;
	s6 =	sadd.s32 @!p0 $0x88, s6;
	s7 =	simm.s32 @p2 $0x1082  }
0x22: {  	[simem:s7], [sflag:s8] =	dma.local @!p0 [hbm:s6], $0xF7A  }
0x23: {  	s9 =	sor.u32 $0xD0000000, s2;
	s6 =	simm.s32 $0x108;
	_ =	swait.ge @!p0 [sflag:s8], $0x0  }
0x24: {  	s3 =	sadd.s32 $0x88, s3;
	s6 =	simm.s32 @!p1 $0x1082;
	[sflag:s4] =	ssyncset.s32 $0xFFFFF086  }
0x25: {  	[simem:s6], [sflag:s4] =	dma.local [hbm:s3], $0xF7A  }
0x26: {  	[smem:$0x3F97] =	sst s1;
	(tag) =	ssettag s2;
	_ =	strace s9  }
0x27: {  	s1 =	sld [smem:$0x3FA7]  }
0x28: {  	s2 =	sld [smem:$0x3FA8]  }
0x29: {  	s4 =	sld [smem:$0x3FAA]  }
0x2a: {  	p0 =	seq.s32 s5, $0x0;
	s5 =	sld [smem:$0x3FAB]  }
0x2b: {  	s6 =	sld [smem:$0x3FAC]  }
0x2c: {  	s7 =	sld [smem:$0x3FAD]  }
0x2d: {  	s3 =	simm.s32 $0x108;
	s8 =	sld [smem:$0x3FAE]  }
0x2e: {  	s3 =	simm.s32 @!p0 $0x1082;
	s9 =	sld [smem:$0x3FAF]  }
0x2f: {  	lr =	sadd.s32 s0, s3;
	s0 =	sld [smem:$0x3FA6]  }
0x30: {  	s3 =	sld [smem:$0x3FA9]  }
0x31: {  	[smem:$0x3FB2] =	sst s10  }
0x32: {  	s10 =	sld [smem:$0x3FB0];
	_ =	sdelay $0x3  }
0x33: {  	p0 =	seq.s32 s10, $0x1;
	s10 =	sld [smem:$0x3FB2];
	_ =	sdelay $0x3  }
0x34: {  	[smem:$0x3FB2] =	sst s10  }
0x35: {  	s10 =	sld [smem:$0x3FB1];
	_ =	sdelay $0x3  }
0x36: {  	p1 =	seq.s32 s10, $0x1;
	s10 =	sld [smem:$0x3FB2];
	_ =	sdelay $0x3  }
0x37: {  	[smem:$0x3FB2] =	sst s10  }
0x38: {  	s10 =	sld [smem:$0x3FB3]  }
0x39: {  	_ = 	snop;
	(pc) =	sbr.ind lr, $3  }
0x3a: {  	_ = 	snop  }
0x3b: {  	_ = 	snop  }
0x3c: {  	p2 =	seq.s32 s10, $0x1;
	s10 =	sld [smem:$0x3FB2]  }
0x3d: {  	_ =	shalt  }
0x3e: {  	_ =	shalt  }
0x3f: {  	_ =	shalt  }
0x40: {  	_ =	shalt  }
0x41: {  	_ =	shalt  }
0x42: {  	_ =	shalt  }
0x43: {  	_ =	shalt  }
0x44: {  	_ =	shalt  }
0x45: {  	_ =	shalt  }
0x46: {  	_ =	shalt  }
0x47: {  	_ =	shalt  }
0x48: {  	_ =	shalt  }
0x49: {  	_ =	shalt  }
0x4a: {  	_ =	shalt  }
0x4b: {  	_ =	shalt  }
0x4c: {  	_ =	shalt  }
0x4d: {  	_ =	shalt  }
0x4e: {  	_ =	shalt  }
0x4f: {  	_ =	shalt  }
0x50: {  	_ =	shalt  }
0x51: {  	_ =	shalt  }
0x52: {  	_ =	shalt  }
0x53: {  	_ =	shalt  }
0x54: {  	_ =	shalt  }
0x55: {  	_ =	shalt  }
0x56: {  	_ =	shalt  }
0x57: {  	_ =	shalt  }
0x58: {  	_ =	shalt  }
0x59: {  	_ =	shalt  }
0x5a: {  	_ =	shalt  }
0x5b: {  	_ =	shalt  }
0x5c: {  	_ =	shalt  }
0x5d: {  	_ =	shalt  }
0x5e: {  	_ =	shalt  }
0x5f: {  	_ =	shalt  }
0x60: {  	_ =	shalt  }
0x61: {  	_ =	shalt  }
0x62: {  	_ =	shalt  }
0x63: {  	_ =	shalt  }
0x64: {  	_ =	shalt  }
0x65: {  	_ =	shalt  }
0x66: {  	_ =	shalt  }
0x67: {  	_ =	shalt  }
0x68: {  	_ =	shalt  }
0x69: {  	_ =	shalt  }
0x6a: {  	_ =	shalt  }
0x6b: {  	_ =	shalt  }
0x6c: {  	_ =	shalt  }
0x6d: {  	_ =	shalt  }
0x6e: {  	_ =	shalt  }
0x6f: {  	_ =	shalt  }
0x70: {  	_ =	shalt  }
0x71: {  	_ =	shalt  }
0x72: {  	_ =	shalt  }
0x73: {  	_ =	shalt  }
0x74: {  	_ =	shalt  }
0x75: {  	_ =	shalt  }
0x76: {  	_ =	shalt  }
0x77: {  	_ =	shalt  }
0x78: {  	_ =	shalt  }
0x79: {  	_ =	shalt  }
0x7a: {  	_ =	shalt  }
0x7b: {  	_ =	shalt  }
0x7c: {  	_ =	shalt  }
0x7d: {  	_ =	shalt  }
0x7e: {  	_ =	shalt  }
0x7f: {  	_ =	shalt  }
0x80: {  	_ =	shalt  }
0x81: {  	_ =	shalt  }
0x82: {  	_ =	shalt  }
0x83: {  	_ =	shalt  }
0x84: {  	_ =	shalt  }
0x85: {  	_ =	shalt  }
0x86: {  	_ =	shalt  }
0x87: {  	_ =	shalt  }
.Lfunc_end0:
.L_simem_size_0:
called_computation.1_lowered:
.L_overlay_start_0:
0x88: {  	s2 =	sld [smem:$0x3FD9]  }
0x89: {  	s3 =	sld [smem:$0x3FFE];
	_ =	sdelay $0x1  }
0x8a: {  	s1 =	srdreg.scid  }
0x8b: {  	s0 =	sand.u32 $0x1, s1  }
0x8c: {  	s16 =	sshll.u32 s0, $0xA;
	s2 =	sadd.s32 s3, s2  }
0x8d: {  	s2 =	sadd.s32 s2, s16  }
0x8e: {  	[smem:$0x3FBE] =	sst s2  }
0x8f: {  	_ = 	snop  }
0x90: {  	(tm) =	ssettm $0x1  }
0x91: {  	s17 =	sld [smem:$0x3FFB];
	_ =	sdelay $0x3  }
0x92: {  	_ =	strace s17  }
0x93: {  	s2 =	sld [smem:$0x3FFC];
	_ =	sdelay $0x3  }
0x94: {  	_ =	strace s2  }
0x95: {  	s2 =	sld [smem:$0x3FFD];
	_ =	sdelay $0x3  }
0x96: {  	_ =	strace s2  }
0x97: {  	_ =	strace $0x8FFFFFFF  }
0x98: {  	s18 =	sld [smem:$0x3FDB];
	_ =	sdelay $0x1  }
0x99: {  	s19 =	simm.s32 $_scs_section_size  }
0x9a: {  	s4 =	simm.s32 $_size__tile_overlayer_lowered;
	s5 =	simm.s32 $_tile_overlayer_lowered  }
0x9b: {  	s22 =	simm.s32 $0x1BFF;
	s21 =	sshll.u32 s5, $0x1;
	s2 =	sadd.s32 s19, s18  }
0x9c: {  	s6 =	simm.s32 $0x0;
	s20 =	sshll.u32 s4, $0x1;
	s4 =	sadd.s32 s21, s2  }
0x9d: {  	[timem:s6], [sflag:s22] =	dma.local [hbm:s4], s20  }
0x9e: {  	_ =	swait.ge [sflag:s22], s20  }
0x9f: {  	s3 =	ssub.s32 $0x0, s20;
	[sflag:s22] =	ssyncset.done $0x0  }
0xa0: {  	[sflag:s22] =	ssyncadd.s32 s3;
	_ =	sdelay $0x1  }
0xa1: {  	s23 =	simm.s32 $0x1B8B  }
0xa2: {  	_ =	swait.ge [sflag:s23], $0x1  }
0xa3: {  	[sflag:s23] =	ssyncset.done $0x0  }
0xa4: {  	s25 =	simm.s32 $0x1B8E;
	s24 =	sld [smem:$0x3FFE];
	[sflag:s23] =	ssyncadd.s32 $0xFFFFFFFF  }
0xa5: {  	s26 =	simm.s32 $execute0_lowered;
	[smem:$0x3FD2] =	sst s25  }
0xa6: {  	s4 =	sshll.u32 s26, $0x1;
	_ =	strace $0x80000049;
	[dreg:$0x1] =	wrdreg $0xFFFFFFFF  }
0xa7: {  	s28 =	simm.s32 $_size_execute0_lowered;
	s2 =	sadd.s32 s2, s4;
	[dreg:$0x0] =	wrdreg $0x0  }
0xa8: {  	s4 =	sshll.u32 s28, $0x1;
	[dreg:$0x2] =	wrdreg s2  }
0xa9: {  	[dreg:$0x3] =	wrdreg s4  }
0xaa: {  	[dreg:$0x4] =	wrdreg $0xC0  }
0xab: {  	_ =	task [dreg:s6], $0x5FFFF  }
0xac: {  	[dreg:$0x1] =	wrdreg $0xFFFFFFFF  }
0xad: {  	[dreg:$0x0] =	wrdreg $0x60  }
0xae: {  	[dreg:$0x2] =	wrdreg s24  }
0xaf: {  	[dreg:$0x3] =	wrdreg $0x2A000  }
0xb0: {  	[dreg:$0x4] =	wrdreg $0x9  }
0xb1: {  	_ =	task.clear_ibuf [dreg:s6], $0x5FFFF;
	_ =	strace $0x90000049  }
0xb2: {  	s29 =	simm.s32 $0x9;
	_ =	strace $0x8000004B  }
0xb3: {  	_ =	swait.ge [sflag:s29], $0x1  }
0xb4: {  	[sflag:s29] =	ssyncadd.s32 $0xFFFFFFFF  }
0xb5: {  	_ =	strace $0x9000004B  }
0xb6: {  	_ =	sfence  }
0xb7: {  	s30 =	sld [smem:$0x0];
	_ =	sdelay $0x2  }
0xb8: {  	s31 =	sshll.u32 s1, $0xD;
	s1 =	sshrl.u32 s1, $0x2  }
0xb9: {  	s3 =	sand.u32 $0x4000, s31;
	s1 =	sadd.s32 s1, s30  }
0xba: {  	s0 =	sor.u32 s3, s0;
	s1 =	sshll.u32 s1, $0x11  }
0xbb: {  	s0 =	sor.u32 s1, s0  }
0xbc: {  	s0 =	sadd.s32 $0x8F2B, s0  }
0xbd: {  	[sflag:s0] =	ssyncadd.remote.s32 $0x1  }
0xbe: {  	_ =	sfence.sel $0xFFFF  }
0xbf: {  	[dreg:$0x0] =	wrdreg $0xFFFFFFFF;
	(pc) =	sbr.abs _section_cstart, $3  }
0xc0: {  	[dreg:$0x1] =	wrdreg $0xFFFFFFFF  }
0xc1: {  	_ =	task.clear_ibuf [dreg:s6], $0x2FFFF;
	_ =	strace $0x9FFFFFFF  }
0xc2: {  	(tm) =	ssettm $0x7FFFFFFF  }
0xc3: {  	_ =	shalt  }
tec
execute0_lowered:
.L_overlay_start_1:
0x0: {  	(tag) =	ssettag $0x1  }
0x1: {  	s8 =	rddreg [dreg:$0x0]  }
0x2: {  	s1 =	rddreg [dreg:$0x1];
	s3 =	simm.s32 $0x0  }
0x3: {  	s4 =	srdreg.scid;
	s0 =	stileid.u32;
	s18 =	simm.s32 $0x80  }
0x4: {  	s19 =	simm.s32 $0x28;
	s20 =	simm.s32 $0x200;
	s21 =	simm.s32 $0x100  }
0x5: {  	s22 =	simm.s32 $0x180;
	s23 =	simm.s32 $0x1600;
	[smem:$0x7FF] =	sst s3  }
0x6: {  	s9 =	sand.u32 $0x1, s4;
	s10 =	smul.u32 $0x2780, s0;
	s24 =	sshll.u32 s0, $0x1  }
0x7: {  	s4 =	sadd.s32 $0x5EC00, s8;
	s5 =	sadd.s32 $0x59C00, s8;
	s13 =	smul.u32 $0x4F000, s0  }
0x8: {  	s7 =	sadd.s32 $0x8400, s8;
	s14 =	smul.u32 $0x2760, s0;
	s26 =	sshll.u32 s0, $0x6  }
0x9: {  	_ =	strace $0x8000004A;
	s11 =	smul.u32 $0x27800, s9;
	s6 =	sor.u32 s9, s24  }
0xa: {  	s25 =	ssub.s32 $0x2, s9;
	s9 =	smul.u32 $0x13B0, s9;
	s24 =	simm.s32 $0x1  }
0xb: {  	s12 =	smul.u32 $0x13B0, s6;
	s6 =	sadd.s32 $0x3400, s8;
	s15 =	sshrl.u32 s25, $0x1  }
0xc: {  	s13 =	sshrl.u32 s13, $0x2;
	s10 =	sadd.s32 s10, s11;
	s15 =	ssub.s32 s25, s15  }
0xd: {  	s17 =	sadd.s32 s13, s1;
	s29 =	sadd.s32 s9, s14;
	s25 =	simm.s32 $0x2  }
0xe: {  	s16 =	sadd.s32 s10, s8;
	s28 =	sshrl.u32 s12, $0x3;
	s8 =	sor.u32 $0x1C03, s26  }
0xf: {  	s30 =	sadd.s32 $0x28, s29;
	s12 =	smax.u32 s15, $0x1;
	s13 =	sadd.s32 $0x50, s29  }
0x10: {  	s26 =	simm.s32 $0x0;
	s9 =	sadd.s32 s5, s28;
	s10 =	sadd.s32 s6, s28  }
0x11: {  	s11 =	sadd.s32 $0x85E00, s16;
	s31 =	sshrl.u32 s30, $0x3;
	s16 =	sshrl.u32 s17, $0x3  }
0x12: {  	s17 =	simm.s32 $0x3;
	s14 =	sadd.s32 s31, s6;
	s15 =	sadd.s32 s31, s5  }
.LBB2_1:
0x13: {  	[spmem:s16], [sflag:s8] =	dma.local [hbm:s7], $0x2780  }
0x14: {  	_ =	swait.ge [sflag:s17], $0x2780  }
0x15: {  	[sflag:s17] =	ssyncset.done $0x0  }
0x16: {  	[sflag:s17] =	ssyncadd.s32 $0xFFFFD880  }
0x17: {  	[bflag:$0x0] =	sbarrier.arrive $0xFFFF  }
0x18: {  	[tilespmem:s3], [sflag:$0x3] =	stream.linear.gather [hbm4b:s9+s3], $0x28, $0x38;
	[tilespmem:$0x16600] =	vst v63  }
0x19: {  	_ =	swait.ge [sflag:s17], $0x28  }
0x1a: {  	[sflag:s17] =	ssyncset.done $0x0  }
0x1b: {  	[sflag:s17] =	ssyncadd.s32 $0xFFFFFFD8  }
0x1c: {  	[tilespmem:s18], [sflag:$0x3] =	stream.linear.gather [hbm4b:s10+s3], $0x28, $0x38;
	[tilespmem:$0x16600] =	vst v63  }
0x1d: {  	_ =	swait.ge [sflag:s17], $0x28  }
0x1e: {  	[sflag:s17] =	ssyncset.done $0x0  }
0x1f: {  	[sflag:s17] =	ssyncadd.s32 $0xFFFFFFD8  }
0x20: {  	[tilespmem:s20], [sflag:$0x1] =	stream.indirect.gather [hbm4b:s4+s19], $0x80, s3, s19, $0xb8;
	[tilespmem:$0x16600] =	vst v63  }
0x21: {  	s28 =	sadd.s32 $0x0, s15  }
0x22: {  	[tilespmem:s21], [sflag:$0x3] =	stream.linear.gather [hbm4b:s28+s3], $0x28, $0x38;
	[tilespmem:$0x16600] =	vst v63  }
0x23: {  	_ =	swait.ge [sflag:s17], $0x28  }
0x24: {  	[sflag:s17] =	ssyncset.done $0x0  }
0x25: {  	s28 =	sadd.s32 $0x0, s14;
	[sflag:s17] =	ssyncadd.s32 $0xFFFFFFD8  }
0x26: {  	[tilespmem:s22], [sflag:$0x3] =	stream.linear.gather [hbm4b:s28+s3], $0x28, $0x38;
	[tilespmem:$0x16600] =	vst v63  }
0x27: {  	_ =	swait.ge [sflag:s17], $0x28  }
0x28: {  	[sflag:s17] =	ssyncset.done $0x0  }
0x29: {  	[sflag:s17] =	ssyncadd.s32 $0xFFFFFFD8  }
0x2a: {  	[tilespmem:s23], [sflag:$0x2] =	stream.indirect.gather [hbm4b:s4+s19], $0x80, s21, s19, $0xb8;
	[tilespmem:$0x16600] =	vst v63  }
0x2b: {  	_ =	swait.ge [sflag:s24], $0x1400  }
0x2c: {  	[sflag:s24] =	ssyncset.done $0x0  }
0x2d: {  	[sflag:s24] =	ssyncadd.s32 $0xFFFFEC00  }
0x2e: {  	[spmem:s1] =	stream.indirect.scatter.add.f32 [tilespmem:s20], [sflag:$0x3], $0x80, s18, s19, $0xb8;
	[tilespmem:$0x16600] =	vst v63  }
0x2f: {  	_ =	swait.ge [sflag:s17], $0x1400  }
0x30: {  	s28 =	sshrl.u32 s13, $0x3;
	[sflag:s17] =	ssyncset.done $0x0  }
0x31: {  	s29 =	sadd.s32 s5, s28;
	[sflag:s17] =	ssyncadd.s32 $0xFFFFEC00  }
0x32: {  	[tilespmem:s3], [sflag:$0x3] =	stream.linear.gather [hbm4b:s29+s3], $0x28, $0x38;
	[tilespmem:$0x16600] =	vst v63  }
0x33: {  	_ =	swait.ge [sflag:s17], $0x28  }
0x34: {  	[sflag:s17] =	ssyncset.done $0x0  }
0x35: {  	s28 =	sadd.s32 s6, s28;
	[sflag:s17] =	ssyncadd.s32 $0xFFFFFFD8  }
0x36: {  	[tilespmem:s18], [sflag:$0x3] =	stream.linear.gather [hbm4b:s28+s3], $0x28, $0x38;
	[tilespmem:$0x16600] =	vst v63  }
0x37: {  	_ =	swait.ge [sflag:s17], $0x28  }
0x38: {  	[sflag:s17] =	ssyncset.done $0x0  }
0x39: {  	[sflag:s17] =	ssyncadd.s32 $0xFFFFFFD8  }
0x3a: {  	[tilespmem:s20], [sflag:$0x1] =	stream.indirect.gather [hbm4b:s4+s19], $0x80, s3, s19, $0xb8;
	[tilespmem:$0x16600] =	vst v63  }
0x3b: {  	_ =	swait.ge [sflag:s25], $0x1400  }
0x3c: {  	[sflag:s25] =	ssyncset.done $0x0  }
0x3d: {  	[sflag:s25] =	ssyncadd.s32 $0xFFFFEC00  }
0x3e: {  	[spmem:s1] =	stream.indirect.scatter.add.f32 [tilespmem:s23], [sflag:$0x3], $0x80, s22, s19, $0xb8;
	[tilespmem:$0x16600] =	vst v63  }
0x3f: {  	s31 =	simm.s32 $0x14;
	_ =	swait.ge [sflag:s17], $0x1400  }
0x40: {  	s29 =	simm.s32 $0xA;
	s28 =	sadd.s32 $0x50, s13;
	[sflag:s17] =	ssyncset.done $0x0  }
.LBB2_2:
0x41: {  	s0 =	sadd.s32 s29, s15  }
0x42: {  	[sflag:s17] =	ssyncadd.s32 $0xFFFFEC00;
	s2 =	smov.u32 s31;
	s30 =	sadd.s32 $0xA, s31  }
0x43: {  	[tilespmem:s21], [sflag:$0x3] =	stream.linear.gather [hbm4b:s0+s3], $0x28, $0x38;
	[tilespmem:$0x16600] =	vst v63  }
0x44: {  	p0 =	sne.s32 s31, $0x26C;
	_ =	swait.ge [sflag:s17], $0x28  }
0x45: {  	[sflag:s17] =	ssyncset.done $0x0  }
0x46: {  	s0 =	sadd.s32 s29, s14;
	s29 =	smov.u32 s2;
	[sflag:s17] =	ssyncadd.s32 $0xFFFFFFD8  }
0x47: {  	[tilespmem:s22], [sflag:$0x3] =	stream.linear.gather [hbm4b:s0+s3], $0x28, $0x38;
	[tilespmem:$0x16600] =	vst v63  }
0x48: {  	_ =	swait.ge [sflag:s17], $0x28  }
0x49: {  	[sflag:s17] =	ssyncset.done $0x0  }
0x4a: {  	[sflag:s17] =	ssyncadd.s32 $0xFFFFFFD8  }
0x4b: {  	[tilespmem:s23], [sflag:$0x2] =	stream.indirect.gather [hbm4b:s4+s19], $0x80, s21, s19, $0xb8;
	[tilespmem:$0x16600] =	vst v63  }
0x4c: {  	_ =	swait.ge [sflag:s24], $0x1400  }
0x4d: {  	[sflag:s24] =	ssyncset.done $0x0  }
0x4e: {  	[sflag:s24] =	ssyncadd.s32 $0xFFFFEC00  }
0x4f: {  	[spmem:s1] =	stream.indirect.scatter.add.f32 [tilespmem:s20], [sflag:$0x3], $0x80, s18, s19, $0xb8;
	[tilespmem:$0x16600] =	vst v63  }
0x50: {  	_ =	swait.ge [sflag:s17], $0x1400  }
0x51: {  	s0 =	sshrl.u32 s28, $0x3;
	[sflag:s17] =	ssyncset.done $0x0  }
0x52: {  	s2 =	sadd.s32 s5, s0;
	[sflag:s17] =	ssyncadd.s32 $0xFFFFEC00  }
0x53: {  	[tilespmem:s3], [sflag:$0x3] =	stream.linear.gather [hbm4b:s2+s3], $0x28, $0x38;
	[tilespmem:$0x16600] =	vst v63  }
0x54: {  	_ =	swait.ge [sflag:s17], $0x28  }
0x55: {  	[sflag:s17] =	ssyncset.done $0x0  }
0x56: {  	s0 =	sadd.s32 s6, s0;
	[sflag:s17] =	ssyncadd.s32 $0xFFFFFFD8  }
0x57: {  	[tilespmem:s18], [sflag:$0x3] =	stream.linear.gather [hbm4b:s0+s3], $0x28, $0x38;
	[tilespmem:$0x16600] =	vst v63  }
0x58: {  	_ =	swait.ge [sflag:s17], $0x28  }
0x59: {  	[sflag:s17] =	ssyncset.done $0x0  }
0x5a: {  	[sflag:s17] =	ssyncadd.s32 $0xFFFFFFD8  }
0x5b: {  	[tilespmem:s20], [sflag:$0x1] =	stream.indirect.gather [hbm4b:s4+s19], $0x80, s3, s19, $0xb8;
	[tilespmem:$0x16600] =	vst v63  }
0x5c: {  	_ =	swait.ge [sflag:s25], $0x1400  }
.Ltmp0:
0x5d: {  	[sflag:s25] =	ssyncset.done $0x0;
	(pc) =	sbr.rel @p0 .LBB2_2-.Ltmp0, $4  }
0x5e: {  	[sflag:s25] =	ssyncadd.s32 $0xFFFFEC00  }
0x5f: {  	[spmem:s1] =	stream.indirect.scatter.add.f32 [tilespmem:s23], [sflag:$0x3], $0x80, s22, s19, $0xb8;
	[tilespmem:$0x16600] =	vst v63  }
0x60: {  	_ =	swait.ge [sflag:s17], $0x1400  }
0x61: {  	s31 =	smov.u32 s30;
	s28 =	sadd.s32 $0x50, s28;
	[sflag:s17] =	ssyncset.done $0x0  }
0x62: {  	s0 =	sadd.s32 s29, s15;
	[sflag:s17] =	ssyncadd.s32 $0xFFFFEC00  }
0x63: {  	[tilespmem:s21], [sflag:$0x3] =	stream.linear.gather [hbm4b:s0+s3], $0x28, $0x38;
	[tilespmem:$0x16600] =	vst v63  }
0x64: {  	_ =	swait.ge [sflag:s17], $0x28  }
0x65: {  	[sflag:s17] =	ssyncset.done $0x0  }
0x66: {  	s30 =	sadd.s32 s29, s14;
	[sflag:s17] =	ssyncadd.s32 $0xFFFFFFD8  }
0x67: {  	[tilespmem:s22], [sflag:$0x3] =	stream.linear.gather [hbm4b:s30+s3], $0x28, $0x38;
	[tilespmem:$0x16600] =	vst v63  }
0x68: {  	_ =	swait.ge [sflag:s17], $0x28  }
0x69: {  	[sflag:s17] =	ssyncset.done $0x0  }
0x6a: {  	[sflag:s17] =	ssyncadd.s32 $0xFFFFFFD8  }
0x6b: {  	[tilespmem:s23], [sflag:$0x2] =	stream.indirect.gather [hbm4b:s4+s19], $0x80, s21, s19, $0xb8;
	[tilespmem:$0x16600] =	vst v63  }
0x6c: {  	_ =	swait.ge [sflag:s24], $0x1400  }
0x6d: {  	[sflag:s24] =	ssyncset.done $0x0  }
0x6e: {  	[sflag:s24] =	ssyncadd.s32 $0xFFFFEC00  }
0x6f: {  	[spmem:s1] =	stream.indirect.scatter.add.f32 [tilespmem:s20], [sflag:$0x3], $0x80, s18, s19, $0xb8;
	[tilespmem:$0x16600] =	vst v63  }
0x70: {  	_ =	swait.ge [sflag:s17], $0x1400  }
0x71: {  	s31 =	sshrl.u32 s28, $0x3;
	[sflag:s17] =	ssyncset.done $0x0  }
0x72: {  	s2 =	sadd.s32 s5, s31;
	[sflag:s17] =	ssyncadd.s32 $0xFFFFEC00  }
0x73: {  	[tilespmem:s3], [sflag:$0x3] =	stream.linear.gather [hbm4b:s2+s3], $0x28, $0x38;
	[tilespmem:$0x16600] =	vst v63  }
0x74: {  	_ =	swait.ge [sflag:s17], $0x28  }
0x75: {  	[sflag:s17] =	ssyncset.done $0x0  }
0x76: {  	s0 =	sadd.s32 s6, s31;
	[sflag:s17] =	ssyncadd.s32 $0xFFFFFFD8  }
0x77: {  	[tilespmem:s18], [sflag:$0x3] =	stream.linear.gather [hbm4b:s0+s3], $0x28, $0x38;
	[tilespmem:$0x16600] =	vst v63  }
0x78: {  	_ =	swait.ge [sflag:s17], $0x28  }
0x79: {  	[sflag:s17] =	ssyncset.done $0x0  }
0x7a: {  	[sflag:s17] =	ssyncadd.s32 $0xFFFFFFD8  }
0x7b: {  	[tilespmem:s20], [sflag:$0x1] =	stream.indirect.gather [hbm4b:s4+s19], $0x80, s3, s19, $0xb8;
	[tilespmem:$0x16600] =	vst v63  }
0x7c: {  	_ =	swait.ge [sflag:s25], $0x1400  }
0x7d: {  	[sflag:s25] =	ssyncset.done $0x0  }
0x7e: {  	[sflag:s25] =	ssyncadd.s32 $0xFFFFEC00  }
0x7f: {  	[spmem:s1] =	stream.indirect.scatter.add.f32 [tilespmem:s23], [sflag:$0x3], $0x80, s22, s19, $0xb8;
	[tilespmem:$0x16600] =	vst v63  }
0x80: {  	_ =	swait.ge [sflag:s17], $0x1400  }
0x81: {  	[sflag:s17] =	ssyncset.done $0x0  }
0x82: {  	[sflag:s17] =	ssyncadd.s32 $0xFFFFEC00  }
0x83: {  	_ =	swait.ge [sflag:s24], $0x1400  }
0x84: {  	s26 =	sadd.s32 $0x1, s26;
	[sflag:s24] =	ssyncset.done $0x0  }
0x85: {  	p0 =	sne.s32 s26, s12;
	[sflag:s24] =	ssyncadd.s32 $0xFFFFEC00  }
.Ltmp1:
0x86: {  	[bflag:$0x0] =	sbarrier.arrive $0xFFFF;
	(pc) =	sbr.rel @p0 .LBB2_1-.Ltmp1, $4  }
0x87: {  	[hbm:s11], [sflag:s8] =	dma.local [spmem:s16], $0x2780  }
0x88: {  	_ =	swait.ge [sflag:s17], $0x2780  }
0x89: {  	[sflag:s17] =	ssyncset.done $0x0  }
0x8a: {  	[sflag:s17] =	ssyncadd.s32 $0xFFFFD880  }
0x8b: {  	_ =	sfence.sel $0x180000  }
0x8c: {  	[bflag:$0x0] =	sbarrier.arrive $0xFFFF  }
0x8d: {  	_ =	strace $0x9000004A  }
0x8e: {  	s0 =	stileid.u32;
	[bflag:$0x2] =	sbarrier.arrive $0xFFFF  }
0x8f: {  	p0 =	sne.s32 s0, $0x0;
	s0 =	rddreg [dreg:$0x2]  }
0x90: {  	s0 =	sadd.s32 @!p0 $0x100000, s0  }
0x91: {  	[sflag:s0] =	ssyncadd.tile.s32 @!p0 $0x1;
	_ =	shalt  }
.Lfunc_end2:
_tile_overlayer_lowered:
.L_overlay_start_2:
0x92: {  	(tag) =	ssettag $0x2  }
0x93: {  	s0 =	rddreg [dreg:$0x0];
	s2 =	stileid.u32  }
0x94: {  	s1 =	rddreg [dreg:$0x1];
	p0 =	sne.s32 s2, $0x0  }
0x95: {  	s3 =	rddreg [dreg:$0x2];
	[bflag:$0x3] =	sbarrier.arrive $0xFFFF;
	s2 =	simm.s32 @!p0 $0x1C03  }
0x96: {  	[timem:s3], [sflag:s2] =	dma.local @!p0 [hbm:s0], s1  }
0x97: {  	s0 =	simm.s32 @!p0 $0x3  }
0x98: {  	_ =	swait.ge @!p0 [sflag:s0], s1  }
0x99: {  	s1 =	ssub.s32 @!p0 $0x0, s1;
	[sflag:s0] =	ssyncset.done @!p0 $0x0  }
0x9a: {  	[sflag:s0] =	ssyncadd.s32 @!p0 s1  }
0x9b: {  	[bflag:$0x3] =	sbarrier.arrive $0xFFFF  }
0x9c: {  	_ =	shalt  }

// kernel: kernel.16.cloned.1.call-start
scs
__scs_entry_jumppad:
0x0: {  	(pc) =	sbr.rel $0x88, $3  }
0x1: {  	(tag) =	ssettag $0x0;
	lr =	simm.s32 $0x1  }
0x2: {  	[smem:$0x3F97] =	sst lr;
	_ =	strace $0xD0000000  }
0x3: {  	_ = 	snop  }
0x4: {  	_ = 	snop  }
0x5: {  	_ = 	snop  }
0x6: {  	_ = 	snop  }
0x7: {  	_ = 	snop  }
__scs_overlays_trampoline_lowered:
0x8: {  	[smem:$0x3FA6] =	sst s0  }
0x9: {  	[smem:$0x3FA7] =	sst s1  }
0xa: {  	[smem:$0x3FA8] =	sst s2  }
0xb: {  	[smem:$0x3FA9] =	sst s3  }
0xc: {  	[smem:$0x3FAA] =	sst s4  }
0xd: {  	[smem:$0x3FAB] =	sst s5  }
0xe: {  	[smem:$0x3FAC] =	sst s6  }
0xf: {  	[smem:$0x3FAD] =	sst s7  }
0x10: {  	[smem:$0x3FAE] =	sst s8  }
0x11: {  	[smem:$0x3FAF] =	sst s9;
	s0 =	simm.s32 @!p0 $0x0  }
0x12: {  	s1 =	sld [smem:$0x3F95];
	s0 =	simm.s32 @p0 $0x1  }
0x13: {  	[smem:$0x3FB0] =	sst s0;
	s0 =	simm.s32 @!p1 $0x0  }
0x14: {  	s2 =	sld [smem:$0x3F94];
	s0 =	simm.s32 @p1 $0x1  }
0x15: {  	[smem:$0x3FB1] =	sst s0;
	s0 =	simm.s32 @!p2 $0x0  }
0x16: {  	s3 =	sld [smem:$0x3FDB];
	s0 =	simm.s32 @p2 $0x1  }
0x17: {  	s4 =	simm.s32 $0x1BF5;
	[smem:$0x3FB3] =	sst s0  }
0x18: {  	s0 =	sld [smem:$0x3F96];
	_ =	swait.ge [sflag:s4], $0x0  }
0x19: {  	s7 =	sld [smem:$0x3F97]  }
0x1a: {  	s8 =	sadd.s32 $0xFFFFE003, lr  }
0x1b: {  	s9 =	sadd.s32 $0xFFFFFEF7, lr;
	s5 =	simm.s32 $0xFFFFFFFF;
	p2 =	slt.u32 s8, $0xFFFFF086  }
0x1c: {  	p1 =	slt.u32 s9, $0xF7A;
	s5 =	simm.s32 @!p2 $0x0  }
0x1d: {  	s5 =	simm.s32 @p1 $0x1;
	p0 =	seq.s32 s7, s2  }
0x1e: {  	s7 =	smul.u32 @!p0 $0xF7A, s2;
	p2 =	seq.s32 @!p0 s5, $0x0  }
0x1f: {  	s9 =	smul.u32 $0xF7A, s1;
	s8 =	simm.s32 @!p0 $0x1BF5;
	p2 =	por !p2, p0  }
0x20: {  	[sflag:s8] =	ssyncset.s32 @!p0 $0xFFFFF086;
	s6 =	sadd.s32 @!p0 s3, s7;
	s7 =	simm.s32 @!p0 $0x108  }
0x21: {  	s3 =	sadd.s32 s3, s9;
	s6 =	sadd.s32 @!p0 $0x88, s6;
	s7 =	simm.s32 @p2 $0x1082  }
0x22: {  	[simem:s7], [sflag:s8] =	dma.local @!p0 [hbm:s6], $0xF7A  }
0x23: {  	s9 =	sor.u32 $0xD0000000, s2;
	s6 =	simm.s32 $0x108;
	_ =	swait.ge @!p0 [sflag:s8], $0x0  }
0x24: {  	s3 =	sadd.s32 $0x88, s3;
	s6 =	simm.s32 @!p1 $0x1082;
	[sflag:s4] =	ssyncset.s32 $0xFFFFF086  }
0x25: {  	[simem:s6], [sflag:s4] =	dma.local [hbm:s3], $0xF7A  }
0x26: {  	[smem:$0x3F97] =	sst s1;
	(tag) =	ssettag s2;
	_ =	strace s9  }
0x27: {  	s1 =	sld [smem:$0x3FA7]  }
0x28: {  	s2 =	sld [smem:$0x3FA8]  }
0x29: {  	s4 =	sld [smem:$0x3FAA]  }
0x2a: {  	p0 =	seq.s32 s5, $0x0;
	s5 =	sld [smem:$0x3FAB]  }
0x2b: {  	s6 =	sld [smem:$0x3FAC]  }
0x2c: {  	s7 =	sld [smem:$0x3FAD]  }
0x2d: {  	s3 =	simm.s32 $0x108;
	s8 =	sld [smem:$0x3FAE]  }
0x2e: {  	s3 =	simm.s32 @!p0 $0x1082;
	s9 =	sld [smem:$0x3FAF]  }
0x2f: {  	lr =	sadd.s32 s0, s3;
	s0 =	sld [smem:$0x3FA6]  }
0x30: {  	s3 =	sld [smem:$0x3FA9]  }
0x31: {  	[smem:$0x3FB2] =	sst s10  }
0x32: {  	s10 =	sld [smem:$0x3FB0];
	_ =	sdelay $0x3  }
0x33: {  	p0 =	seq.s32 s10, $0x1;
	s10 =	sld [smem:$0x3FB2];
	_ =	sdelay $0x3  }
0x34: {  	[smem:$0x3FB2] =	sst s10  }
0x35: {  	s10 =	sld [smem:$0x3FB1];
	_ =	sdelay $0x3  }
0x36: {  	p1 =	seq.s32 s10, $0x1;
	s10 =	sld [smem:$0x3FB2];
	_ =	sdelay $0x3  }
0x37: {  	[smem:$0x3FB2] =	sst s10  }
0x38: {  	s10 =	sld [smem:$0x3FB3]  }
0x39: {  	_ = 	snop;
	(pc) =	sbr.ind lr, $3  }
0x3a: {  	_ = 	snop  }
0x3b: {  	_ = 	snop  }
0x3c: {  	p2 =	seq.s32 s10, $0x1;
	s10 =	sld [smem:$0x3FB2]  }
0x3d: {  	_ =	shalt  }
0x3e: {  	_ =	shalt  }
0x3f: {  	_ =	shalt  }
0x40: {  	_ =	shalt  }
0x41: {  	_ =	shalt  }
0x42: {  	_ =	shalt  }
0x43: {  	_ =	shalt  }
0x44: {  	_ =	shalt  }
0x45: {  	_ =	shalt  }
0x46: {  	_ =	shalt  }
0x47: {  	_ =	shalt  }
0x48: {  	_ =	shalt  }
0x49: {  	_ =	shalt  }
0x4a: {  	_ =	shalt  }
0x4b: {  	_ =	shalt  }
0x4c: {  	_ =	shalt  }
0x4d: {  	_ =	shalt  }
0x4e: {  	_ =	shalt  }
0x4f: {  	_ =	shalt  }
0x50: {  	_ =	shalt  }
0x51: {  	_ =	shalt  }
0x52: {  	_ =	shalt  }
0x53: {  	_ =	shalt  }
0x54: {  	_ =	shalt  }
0x55: {  	_ =	shalt  }
0x56: {  	_ =	shalt  }
0x57: {  	_ =	shalt  }
0x58: {  	_ =	shalt  }
0x59: {  	_ =	shalt  }
0x5a: {  	_ =	shalt  }
0x5b: {  	_ =	shalt  }
0x5c: {  	_ =	shalt  }
0x5d: {  	_ =	shalt  }
0x5e: {  	_ =	shalt  }
0x5f: {  	_ =	shalt  }
0x60: {  	_ =	shalt  }
0x61: {  	_ =	shalt  }
0x62: {  	_ =	shalt  }
0x63: {  	_ =	shalt  }
0x64: {  	_ =	shalt  }
0x65: {  	_ =	shalt  }
0x66: {  	_ =	shalt  }
0x67: {  	_ =	shalt  }
0x68: {  	_ =	shalt  }
0x69: {  	_ =	shalt  }
0x6a: {  	_ =	shalt  }
0x6b: {  	_ =	shalt  }
0x6c: {  	_ =	shalt  }
0x6d: {  	_ =	shalt  }
0x6e: {  	_ =	shalt  }
0x6f: {  	_ =	shalt  }
0x70: {  	_ =	shalt  }
0x71: {  	_ =	shalt  }
0x72: {  	_ =	shalt  }
0x73: {  	_ =	shalt  }
0x74: {  	_ =	shalt  }
0x75: {  	_ =	shalt  }
0x76: {  	_ =	shalt  }
0x77: {  	_ =	shalt  }
0x78: {  	_ =	shalt  }
0x79: {  	_ =	shalt  }
0x7a: {  	_ =	shalt  }
0x7b: {  	_ =	shalt  }
0x7c: {  	_ =	shalt  }
0x7d: {  	_ =	shalt  }
0x7e: {  	_ =	shalt  }
0x7f: {  	_ =	shalt  }
0x80: {  	_ =	shalt  }
0x81: {  	_ =	shalt  }
0x82: {  	_ =	shalt  }
0x83: {  	_ =	shalt  }
0x84: {  	_ =	shalt  }
0x85: {  	_ =	shalt  }
0x86: {  	_ =	shalt  }
0x87: {  	_ =	shalt  }
.Lfunc_end0:
.L_simem_size_0:
called_computation.2_lowered:
.L_overlay_start_0:
0x88: {  	s2 =	sld [smem:$0x3FD9]  }
0x89: {  	s3 =	sld [smem:$0x3FFE];
	_ =	sdelay $0x1  }
0x8a: {  	s1 =	srdreg.scid  }
0x8b: {  	s0 =	sand.u32 $0x1, s1  }
0x8c: {  	s16 =	sshll.u32 s0, $0xA;
	s2 =	sadd.s32 s3, s2  }
0x8d: {  	s2 =	sadd.s32 s2, s16  }
0x8e: {  	[smem:$0x3FBE] =	sst s2  }
0x8f: {  	_ = 	snop  }
0x90: {  	(tm) =	ssettm $0x1  }
0x91: {  	s17 =	sld [smem:$0x3FFB];
	_ =	sdelay $0x3  }
0x92: {  	_ =	strace s17  }
0x93: {  	s2 =	sld [smem:$0x3FFC];
	_ =	sdelay $0x3  }
0x94: {  	_ =	strace s2  }
0x95: {  	s2 =	sld [smem:$0x3FFD];
	_ =	sdelay $0x3  }
0x96: {  	_ =	strace s2  }
0x97: {  	_ =	strace $0x8FFFFFFF  }
0x98: {  	s18 =	sld [smem:$0x3FDB];
	_ =	sdelay $0x1  }
0x99: {  	s19 =	simm.s32 $_scs_section_size  }
0x9a: {  	s4 =	simm.s32 $_size__tile_overlayer_lowered;
	s5 =	simm.s32 $_tile_overlayer_lowered  }
0x9b: {  	s22 =	simm.s32 $0x1BFF;
	s21 =	sshll.u32 s5, $0x1;
	s2 =	sadd.s32 s19, s18  }
0x9c: {  	s6 =	simm.s32 $0x0;
	s20 =	sshll.u32 s4, $0x1;
	s4 =	sadd.s32 s21, s2  }
0x9d: {  	[timem:s6], [sflag:s22] =	dma.local [hbm:s4], s20  }
0x9e: {  	_ =	swait.ge [sflag:s22], s20  }
0x9f: {  	s3 =	ssub.s32 $0x0, s20;
	[sflag:s22] =	ssyncset.done $0x0  }
0xa0: {  	[sflag:s22] =	ssyncadd.s32 s3;
	_ =	sdelay $0x1  }
0xa1: {  	s23 =	simm.s32 $0x1B8B  }
0xa2: {  	_ =	swait.ge [sflag:s23], $0x1  }
0xa3: {  	[sflag:s23] =	ssyncset.done $0x0  }
0xa4: {  	s25 =	simm.s32 $0x1B8E;
	s24 =	sld [smem:$0x3FFE];
	[sflag:s23] =	ssyncadd.s32 $0xFFFFFFFF  }
0xa5: {  	s26 =	simm.s32 $execute0_lowered;
	[smem:$0x3FD2] =	sst s25  }
0xa6: {  	s4 =	sshll.u32 s26, $0x1;
	_ =	strace $0x8000004C;
	[dreg:$0x1] =	wrdreg $0xFFFFFFFF  }
0xa7: {  	s28 =	simm.s32 $_size_execute0_lowered;
	s2 =	sadd.s32 s2, s4;
	[dreg:$0x0] =	wrdreg $0x0  }
0xa8: {  	s4 =	sshll.u32 s28, $0x1;
	[dreg:$0x2] =	wrdreg s2  }
0xa9: {  	[dreg:$0x3] =	wrdreg s4  }
0xaa: {  	[dreg:$0x4] =	wrdreg $0xC0  }
0xab: {  	_ =	task [dreg:s6], $0x5FFFF  }
0xac: {  	[dreg:$0x1] =	wrdreg $0xFFFFFFFF  }
0xad: {  	[dreg:$0x0] =	wrdreg $0x60  }
0xae: {  	[dreg:$0x2] =	wrdreg s24  }
0xaf: {  	[dreg:$0x3] =	wrdreg $0x2A000  }
0xb0: {  	[dreg:$0x4] =	wrdreg $0x9  }
0xb1: {  	_ =	task.clear_ibuf [dreg:s6], $0x5FFFF;
	_ =	strace $0x9000004C  }
0xb2: {  	s29 =	simm.s32 $0x9;
	_ =	strace $0x8000004E  }
0xb3: {  	_ =	swait.ge [sflag:s29], $0x1  }
0xb4: {  	[sflag:s29] =	ssyncadd.s32 $0xFFFFFFFF  }
0xb5: {  	_ =	strace $0x9000004E  }
0xb6: {  	_ =	sfence  }
0xb7: {  	s30 =	sld [smem:$0x0];
	_ =	sdelay $0x2  }
0xb8: {  	s31 =	sshll.u32 s1, $0xD;
	s1 =	sshrl.u32 s1, $0x2  }
0xb9: {  	s3 =	sand.u32 $0x4000, s31;
	s1 =	sadd.s32 s1, s30  }
0xba: {  	s0 =	sor.u32 s3, s0;
	s1 =	sshll.u32 s1, $0x11  }
0xbb: {  	s0 =	sor.u32 s1, s0  }
0xbc: {  	s0 =	sadd.s32 $0x8F2B, s0  }
0xbd: {  	[sflag:s0] =	ssyncadd.remote.s32 $0x1  }
0xbe: {  	_ =	sfence.sel $0xFFFF  }
0xbf: {  	[dreg:$0x0] =	wrdreg $0xFFFFFFFF;
	(pc) =	sbr.abs _section_cstart, $3  }
0xc0: {  	[dreg:$0x1] =	wrdreg $0xFFFFFFFF  }
0xc1: {  	_ =	task.clear_ibuf [dreg:s6], $0x2FFFF;
	_ =	strace $0x9FFFFFFF  }
0xc2: {  	(tm) =	ssettm $0x7FFFFFFF  }
0xc3: {  	_ =	shalt  }
tec
execute0_lowered:
.L_overlay_start_1:
0x0: {  	(tag) =	ssettag $0x1  }
0x1: {  	s8 =	rddreg [dreg:$0x0]  }
0x2: {  	s1 =	rddreg [dreg:$0x1];
	s3 =	simm.s32 $0x0  }
0x3: {  	s4 =	srdreg.scid;
	s0 =	stileid.u32;
	s18 =	simm.s32 $0x80  }
0x4: {  	s19 =	simm.s32 $0x28;
	s20 =	simm.s32 $0x200;
	s21 =	simm.s32 $0x100  }
0x5: {  	s22 =	simm.s32 $0x180;
	s23 =	simm.s32 $0x1600;
	[smem:$0x7FF] =	sst s3  }
0x6: {  	s9 =	sand.u32 $0x1, s4;
	s10 =	smul.u32 $0x2780, s0;
	s24 =	sshll.u32 s0, $0x1  }
0x7: {  	s4 =	sadd.s32 $0x5EC00, s8;
	s5 =	sadd.s32 $0x59C00, s8;
	s13 =	smul.u32 $0x4F000, s0  }
0x8: {  	s7 =	sadd.s32 $0x8400, s8;
	s14 =	smul.u32 $0x2760, s0;
	s26 =	sshll.u32 s0, $0x6  }
0x9: {  	_ =	strace $0x8000004D;
	s11 =	smul.u32 $0x27800, s9;
	s6 =	sor.u32 s9, s24  }
0xa: {  	s25 =	ssub.s32 $0x2, s9;
	s9 =	smul.u32 $0x13B0, s9;
	s24 =	simm.s32 $0x1  }
0xb: {  	s12 =	smul.u32 $0x13B0, s6;
	s6 =	sadd.s32 $0x3400, s8;
	s15 =	sshrl.u32 s25, $0x1  }
0xc: {  	s13 =	sshrl.u32 s13, $0x2;
	s10 =	sadd.s32 s10, s11;
	s15 =	ssub.s32 s25, s15  }
0xd: {  	s17 =	sadd.s32 s13, s1;
	s29 =	sadd.s32 s9, s14;
	s25 =	simm.s32 $0x2  }
0xe: {  	s16 =	sadd.s32 s10, s8;
	s28 =	sshrl.u32 s12, $0x3;
	s8 =	sor.u32 $0x1C03, s26  }
0xf: {  	s30 =	sadd.s32 $0x28, s29;
	s12 =	smax.u32 s15, $0x1;
	s13 =	sadd.s32 $0x50, s29  }
0x10: {  	s26 =	simm.s32 $0x0;
	s9 =	sadd.s32 s5, s28;
	s10 =	sadd.s32 s6, s28  }
0x11: {  	s11 =	sadd.s32 $0x85E00, s16;
	s31 =	sshrl.u32 s30, $0x3;
	s16 =	sshrl.u32 s17, $0x3  }
0x12: {  	s17 =	simm.s32 $0x3;
	s14 =	sadd.s32 s31, s6;
	s15 =	sadd.s32 s31, s5  }
.LBB2_1:
0x13: {  	[spmem:s16], [sflag:s8] =	dma.local [hbm:s7], $0x2780  }
0x14: {  	_ =	swait.ge [sflag:s17], $0x2780  }
0x15: {  	[sflag:s17] =	ssyncset.done $0x0  }
0x16: {  	[sflag:s17] =	ssyncadd.s32 $0xFFFFD880  }
0x17: {  	[bflag:$0x0] =	sbarrier.arrive $0xFFFF  }
0x18: {  	[tilespmem:s3], [sflag:$0x3] =	stream.linear.gather [hbm4b:s9+s3], $0x28, $0x38;
	[tilespmem:$0x16600] =	vst v63  }
0x19: {  	_ =	swait.ge [sflag:s17], $0x28  }
0x1a: {  	[sflag:s17] =	ssyncset.done $0x0  }
0x1b: {  	[sflag:s17] =	ssyncadd.s32 $0xFFFFFFD8  }
0x1c: {  	[tilespmem:s18], [sflag:$0x3] =	stream.linear.gather [hbm4b:s10+s3], $0x28, $0x38;
	[tilespmem:$0x16600] =	vst v63  }
0x1d: {  	_ =	swait.ge [sflag:s17], $0x28  }
0x1e: {  	[sflag:s17] =	ssyncset.done $0x0  }
0x1f: {  	[sflag:s17] =	ssyncadd.s32 $0xFFFFFFD8  }
0x20: {  	[tilespmem:s20], [sflag:$0x1] =	stream.indirect.gather [hbm4b:s4+s19], $0x80, s3, s19, $0xb8;
	[tilespmem:$0x16600] =	vst v63  }
0x21: {  	s28 =	sadd.s32 $0x0, s15  }
0x22: {  	[tilespmem:s21], [sflag:$0x3] =	stream.linear.gather [hbm4b:s28+s3], $0x28, $0x38;
	[tilespmem:$0x16600] =	vst v63  }
0x23: {  	_ =	swait.ge [sflag:s17], $0x28  }
0x24: {  	[sflag:s17] =	ssyncset.done $0x0  }
0x25: {  	s28 =	sadd.s32 $0x0, s14;
	[sflag:s17] =	ssyncadd.s32 $0xFFFFFFD8  }
0x26: {  	[tilespmem:s22], [sflag:$0x3] =	stream.linear.gather [hbm4b:s28+s3], $0x28, $0x38;
	[tilespmem:$0x16600] =	vst v63  }
0x27: {  	_ =	swait.ge [sflag:s17], $0x28  }
0x28: {  	[sflag:s17] =	ssyncset.done $0x0  }
0x29: {  	[sflag:s17] =	ssyncadd.s32 $0xFFFFFFD8  }
0x2a: {  	[tilespmem:s23], [sflag:$0x2] =	stream.indirect.gather [hbm4b:s4+s19], $0x80, s21, s19, $0xb8;
	[tilespmem:$0x16600] =	vst v63  }
0x2b: {  	_ =	swait.ge [sflag:s24], $0x1400  }
0x2c: {  	[sflag:s24] =	ssyncset.done $0x0  }
0x2d: {  	[sflag:s24] =	ssyncadd.s32 $0xFFFFEC00  }
0x2e: {  	[spmem:s1] =	stream.indirect.scatter.add.f32 [tilespmem:s20], [sflag:$0x3], $0x80, s18, s19, $0xb8;
	[tilespmem:$0x16600] =	vst v63  }
0x2f: {  	_ =	swait.ge [sflag:s17], $0x1400  }
0x30: {  	s28 =	sshrl.u32 s13, $0x3;
	[sflag:s17] =	ssyncset.done $0x0  }
0x31: {  	s29 =	sadd.s32 s5, s28;
	[sflag:s17] =	ssyncadd.s32 $0xFFFFEC00  }
0x32: {  	[tilespmem:s3], [sflag:$0x3] =	stream.linear.gather [hbm4b:s29+s3], $0x28, $0x38;
	[tilespmem:$0x16600] =	vst v63  }
0x33: {  	_ =	swait.ge [sflag:s17], $0x28  }
0x34: {  	[sflag:s17] =	ssyncset.done $0x0  }
0x35: {  	s28 =	sadd.s32 s6, s28;
	[sflag:s17] =	ssyncadd.s32 $0xFFFFFFD8  }
0x36: {  	[tilespmem:s18], [sflag:$0x3] =	stream.linear.gather [hbm4b:s28+s3], $0x28, $0x38;
	[tilespmem:$0x16600] =	vst v63  }
0x37: {  	_ =	swait.ge [sflag:s17], $0x28  }
0x38: {  	[sflag:s17] =	ssyncset.done $0x0  }
0x39: {  	[sflag:s17] =	ssyncadd.s32 $0xFFFFFFD8  }
0x3a: {  	[tilespmem:s20], [sflag:$0x1] =	stream.indirect.gather [hbm4b:s4+s19], $0x80, s3, s19, $0xb8;
	[tilespmem:$0x16600] =	vst v63  }
0x3b: {  	_ =	swait.ge [sflag:s25], $0x1400  }
0x3c: {  	[sflag:s25] =	ssyncset.done $0x0  }
0x3d: {  	[sflag:s25] =	ssyncadd.s32 $0xFFFFEC00  }
0x3e: {  	[spmem:s1] =	stream.indirect.scatter.add.f32 [tilespmem:s23], [sflag:$0x3], $0x80, s22, s19, $0xb8;
	[tilespmem:$0x16600] =	vst v63  }
0x3f: {  	s31 =	simm.s32 $0x14;
	_ =	swait.ge [sflag:s17], $0x1400  }
0x40: {  	s29 =	simm.s32 $0xA;
	s28 =	sadd.s32 $0x50, s13;
	[sflag:s17] =	ssyncset.done $0x0  }
.LBB2_2:
0x41: {  	s0 =	sadd.s32 s29, s15  }
0x42: {  	[sflag:s17] =	ssyncadd.s32 $0xFFFFEC00;
	s2 =	smov.u32 s31;
	s30 =	sadd.s32 $0xA, s31  }
0x43: {  	[tilespmem:s21], [sflag:$0x3] =	stream.linear.gather [hbm4b:s0+s3], $0x28, $0x38;
	[tilespmem:$0x16600] =	vst v63  }
0x44: {  	p0 =	sne.s32 s31, $0x26C;
	_ =	swait.ge [sflag:s17], $0x28  }
0x45: {  	[sflag:s17] =	ssyncset.done $0x0  }
0x46: {  	s0 =	sadd.s32 s29, s14;
	s29 =	smov.u32 s2;
	[sflag:s17] =	ssyncadd.s32 $0xFFFFFFD8  }
0x47: {  	[tilespmem:s22], [sflag:$0x3] =	stream.linear.gather [hbm4b:s0+s3], $0x28, $0x38;
	[tilespmem:$0x16600] =	vst v63  }
0x48: {  	_ =	swait.ge [sflag:s17], $0x28  }
0x49: {  	[sflag:s17] =	ssyncset.done $0x0  }
0x4a: {  	[sflag:s17] =	ssyncadd.s32 $0xFFFFFFD8  }
0x4b: {  	[tilespmem:s23], [sflag:$0x2] =	stream.indirect.gather [hbm4b:s4+s19], $0x80, s21, s19, $0xb8;
	[tilespmem:$0x16600] =	vst v63  }
0x4c: {  	_ =	swait.ge [sflag:s24], $0x1400  }
0x4d: {  	[sflag:s24] =	ssyncset.done $0x0  }
0x4e: {  	[sflag:s24] =	ssyncadd.s32 $0xFFFFEC00  }
0x4f: {  	[spmem:s1] =	stream.indirect.scatter.add.f32 [tilespmem:s20], [sflag:$0x3], $0x80, s18, s19, $0xb8;
	[tilespmem:$0x16600] =	vst v63  }
0x50: {  	_ =	swait.ge [sflag:s17], $0x1400  }
0x51: {  	s0 =	sshrl.u32 s28, $0x3;
	[sflag:s17] =	ssyncset.done $0x0  }
0x52: {  	s2 =	sadd.s32 s5, s0;
	[sflag:s17] =	ssyncadd.s32 $0xFFFFEC00  }
0x53: {  	[tilespmem:s3], [sflag:$0x3] =	stream.linear.gather [hbm4b:s2+s3], $0x28, $0x38;
	[tilespmem:$0x16600] =	vst v63  }
0x54: {  	_ =	swait.ge [sflag:s17], $0x28  }
0x55: {  	[sflag:s17] =	ssyncset.done $0x0  }
0x56: {  	s0 =	sadd.s32 s6, s0;
	[sflag:s17] =	ssyncadd.s32 $0xFFFFFFD8  }
0x57: {  	[tilespmem:s18], [sflag:$0x3] =	stream.linear.gather [hbm4b:s0+s3], $0x28, $0x38;
	[tilespmem:$0x16600] =	vst v63  }
0x58: {  	_ =	swait.ge [sflag:s17], $0x28  }
0x59: {  	[sflag:s17] =	ssyncset.done $0x0  }
0x5a: {  	[sflag:s17] =	ssyncadd.s32 $0xFFFFFFD8  }
0x5b: {  	[tilespmem:s20], [sflag:$0x1] =	stream.indirect.gather [hbm4b:s4+s19], $0x80, s3, s19, $0xb8;
	[tilespmem:$0x16600] =	vst v63  }
0x5c: {  	_ =	swait.ge [sflag:s25], $0x1400  }
.Ltmp0:
0x5d: {  	[sflag:s25] =	ssyncset.done $0x0;
	(pc) =	sbr.rel @p0 .LBB2_2-.Ltmp0, $4  }
0x5e: {  	[sflag:s25] =	ssyncadd.s32 $0xFFFFEC00  }
0x5f: {  	[spmem:s1] =	stream.indirect.scatter.add.f32 [tilespmem:s23], [sflag:$0x3], $0x80, s22, s19, $0xb8;
	[tilespmem:$0x16600] =	vst v63  }
0x60: {  	_ =	swait.ge [sflag:s17], $0x1400  }
0x61: {  	s31 =	smov.u32 s30;
	s28 =	sadd.s32 $0x50, s28;
	[sflag:s17] =	ssyncset.done $0x0  }
0x62: {  	s0 =	sadd.s32 s29, s15;
	[sflag:s17] =	ssyncadd.s32 $0xFFFFEC00  }
0x63: {  	[tilespmem:s21], [sflag:$0x3] =	stream.linear.gather [hbm4b:s0+s3], $0x28, $0x38;
	[tilespmem:$0x16600] =	vst v63  }
0x64: {  	_ =	swait.ge [sflag:s17], $0x28  }
0x65: {  	[sflag:s17] =	ssyncset.done $0x0  }
0x66: {  	s30 =	sadd.s32 s29, s14;
	[sflag:s17] =	ssyncadd.s32 $0xFFFFFFD8  }
0x67: {  	[tilespmem:s22], [sflag:$0x3] =	stream.linear.gather [hbm4b:s30+s3], $0x28, $0x38;
	[tilespmem:$0x16600] =	vst v63  }
0x68: {  	_ =	swait.ge [sflag:s17], $0x28  }
0x69: {  	[sflag:s17] =	ssyncset.done $0x0  }
0x6a: {  	[sflag:s17] =	ssyncadd.s32 $0xFFFFFFD8  }
0x6b: {  	[tilespmem:s23], [sflag:$0x2] =	stream.indirect.gather [hbm4b:s4+s19], $0x80, s21, s19, $0xb8;
	[tilespmem:$0x16600] =	vst v63  }
0x6c: {  	_ =	swait.ge [sflag:s24], $0x1400  }
0x6d: {  	[sflag:s24] =	ssyncset.done $0x0  }
0x6e: {  	[sflag:s24] =	ssyncadd.s32 $0xFFFFEC00  }
0x6f: {  	[spmem:s1] =	stream.indirect.scatter.add.f32 [tilespmem:s20], [sflag:$0x3], $0x80, s18, s19, $0xb8;
	[tilespmem:$0x16600] =	vst v63  }
0x70: {  	_ =	swait.ge [sflag:s17], $0x1400  }
0x71: {  	s31 =	sshrl.u32 s28, $0x3;
	[sflag:s17] =	ssyncset.done $0x0  }
0x72: {  	s2 =	sadd.s32 s5, s31;
	[sflag:s17] =	ssyncadd.s32 $0xFFFFEC00  }
0x73: {  	[tilespmem:s3], [sflag:$0x3] =	stream.linear.gather [hbm4b:s2+s3], $0x28, $0x38;
	[tilespmem:$0x16600] =	vst v63  }
0x74: {  	_ =	swait.ge [sflag:s17], $0x28  }
0x75: {  	[sflag:s17] =	ssyncset.done $0x0  }
0x76: {  	s0 =	sadd.s32 s6, s31;
	[sflag:s17] =	ssyncadd.s32 $0xFFFFFFD8  }
0x77: {  	[tilespmem:s18], [sflag:$0x3] =	stream.linear.gather [hbm4b:s0+s3], $0x28, $0x38;
	[tilespmem:$0x16600] =	vst v63  }
0x78: {  	_ =	swait.ge [sflag:s17], $0x28  }
0x79: {  	[sflag:s17] =	ssyncset.done $0x0  }
0x7a: {  	[sflag:s17] =	ssyncadd.s32 $0xFFFFFFD8  }
0x7b: {  	[tilespmem:s20], [sflag:$0x1] =	stream.indirect.gather [hbm4b:s4+s19], $0x80, s3, s19, $0xb8;
	[tilespmem:$0x16600] =	vst v63  }
0x7c: {  	_ =	swait.ge [sflag:s25], $0x1400  }
0x7d: {  	[sflag:s25] =	ssyncset.done $0x0  }
0x7e: {  	[sflag:s25] =	ssyncadd.s32 $0xFFFFEC00  }
0x7f: {  	[spmem:s1] =	stream.indirect.scatter.add.f32 [tilespmem:s23], [sflag:$0x3], $0x80, s22, s19, $0xb8;
	[tilespmem:$0x16600] =	vst v63  }
0x80: {  	_ =	swait.ge [sflag:s17], $0x1400  }
0x81: {  	[sflag:s17] =	ssyncset.done $0x0  }
0x82: {  	[sflag:s17] =	ssyncadd.s32 $0xFFFFEC00  }
0x83: {  	_ =	swait.ge [sflag:s24], $0x1400  }
0x84: {  	s26 =	sadd.s32 $0x1, s26;
	[sflag:s24] =	ssyncset.done $0x0  }
0x85: {  	p0 =	sne.s32 s26, s12;
	[sflag:s24] =	ssyncadd.s32 $0xFFFFEC00  }
.Ltmp1:
0x86: {  	[bflag:$0x0] =	sbarrier.arrive $0xFFFF;
	(pc) =	sbr.rel @p0 .LBB2_1-.Ltmp1, $4  }
0x87: {  	[hbm:s11], [sflag:s8] =	dma.local [spmem:s16], $0x2780  }
0x88: {  	_ =	swait.ge [sflag:s17], $0x2780  }
0x89: {  	[sflag:s17] =	ssyncset.done $0x0  }
0x8a: {  	[sflag:s17] =	ssyncadd.s32 $0xFFFFD880  }
0x8b: {  	_ =	sfence.sel $0x180000  }
0x8c: {  	[bflag:$0x0] =	sbarrier.arrive $0xFFFF  }
0x8d: {  	_ =	strace $0x9000004D  }
0x8e: {  	s0 =	stileid.u32;
	[bflag:$0x2] =	sbarrier.arrive $0xFFFF  }
0x8f: {  	p0 =	sne.s32 s0, $0x0;
	s0 =	rddreg [dreg:$0x2]  }
0x90: {  	s0 =	sadd.s32 @!p0 $0x100000, s0  }
0x91: {  	[sflag:s0] =	ssyncadd.tile.s32 @!p0 $0x1;
	_ =	shalt  }
.Lfunc_end2:
_tile_overlayer_lowered:
.L_overlay_start_2:
0x92: {  	(tag) =	ssettag $0x2  }
0x93: {  	s0 =	rddreg [dreg:$0x0];
	s2 =	stileid.u32  }
0x94: {  	s1 =	rddreg [dreg:$0x1];
	p0 =	sne.s32 s2, $0x0  }
0x95: {  	s3 =	rddreg [dreg:$0x2];
	[bflag:$0x3] =	sbarrier.arrive $0xFFFF;
	s2 =	simm.s32 @!p0 $0x1C03  }
0x96: {  	[timem:s3], [sflag:s2] =	dma.local @!p0 [hbm:s0], s1  }
0x97: {  	s0 =	simm.s32 @!p0 $0x3  }
0x98: {  	_ =	swait.ge @!p0 [sflag:s0], s1  }
0x99: {  	s1 =	ssub.s32 @!p0 $0x0, s1;
	[sflag:s0] =	ssyncset.done @!p0 $0x0  }
0x9a: {  	[sflag:s0] =	ssyncadd.s32 @!p0 s1  }
0x9b: {  	[bflag:$0x3] =	sbarrier.arrive $0xFFFF  }
0x9c: {  	_ =	shalt  }

// kernel: kernel.19.cloned.1.call-start
scs
__scs_entry_jumppad:
0x0: {  	(pc) =	sbr.rel $0x88, $3  }
0x1: {  	(tag) =	ssettag $0x0;
	lr =	simm.s32 $0x1  }
0x2: {  	[smem:$0x3F97] =	sst lr;
	_ =	strace $0xD0000000  }
0x3: {  	_ = 	snop  }
0x4: {  	_ = 	snop  }
0x5: {  	_ = 	snop  }
0x6: {  	_ = 	snop  }
0x7: {  	_ = 	snop  }
__scs_overlays_trampoline_lowered:
0x8: {  	[smem:$0x3FA6] =	sst s0  }
0x9: {  	[smem:$0x3FA7] =	sst s1  }
0xa: {  	[smem:$0x3FA8] =	sst s2  }
0xb: {  	[smem:$0x3FA9] =	sst s3  }
0xc: {  	[smem:$0x3FAA] =	sst s4  }
0xd: {  	[smem:$0x3FAB] =	sst s5  }
0xe: {  	[smem:$0x3FAC] =	sst s6  }
0xf: {  	[smem:$0x3FAD] =	sst s7  }
0x10: {  	[smem:$0x3FAE] =	sst s8  }
0x11: {  	[smem:$0x3FAF] =	sst s9;
	s0 =	simm.s32 @!p0 $0x0  }
0x12: {  	s1 =	sld [smem:$0x3F95];
	s0 =	simm.s32 @p0 $0x1  }
0x13: {  	[smem:$0x3FB0] =	sst s0;
	s0 =	simm.s32 @!p1 $0x0  }
0x14: {  	s2 =	sld [smem:$0x3F94];
	s0 =	simm.s32 @p1 $0x1  }
0x15: {  	[smem:$0x3FB1] =	sst s0;
	s0 =	simm.s32 @!p2 $0x0  }
0x16: {  	s3 =	sld [smem:$0x3FDB];
	s0 =	simm.s32 @p2 $0x1  }
0x17: {  	s4 =	simm.s32 $0x1BF5;
	[smem:$0x3FB3] =	sst s0  }
0x18: {  	s0 =	sld [smem:$0x3F96];
	_ =	swait.ge [sflag:s4], $0x0  }
0x19: {  	s7 =	sld [smem:$0x3F97]  }
0x1a: {  	s8 =	sadd.s32 $0xFFFFE003, lr  }
0x1b: {  	s9 =	sadd.s32 $0xFFFFFEF7, lr;
	s5 =	simm.s32 $0xFFFFFFFF;
	p2 =	slt.u32 s8, $0xFFFFF086  }
0x1c: {  	p1 =	slt.u32 s9, $0xF7A;
	s5 =	simm.s32 @!p2 $0x0  }
0x1d: {  	s5 =	simm.s32 @p1 $0x1;
	p0 =	seq.s32 s7, s2  }
0x1e: {  	s7 =	smul.u32 @!p0 $0xF7A, s2;
	p2 =	seq.s32 @!p0 s5, $0x0  }
0x1f: {  	s9 =	smul.u32 $0xF7A, s1;
	s8 =	simm.s32 @!p0 $0x1BF5;
	p2 =	por !p2, p0  }
0x20: {  	[sflag:s8] =	ssyncset.s32 @!p0 $0xFFFFF086;
	s6 =	sadd.s32 @!p0 s3, s7;
	s7 =	simm.s32 @!p0 $0x108  }
0x21: {  	s3 =	sadd.s32 s3, s9;
	s6 =	sadd.s32 @!p0 $0x88, s6;
	s7 =	simm.s32 @p2 $0x1082  }
0x22: {  	[simem:s7], [sflag:s8] =	dma.local @!p0 [hbm:s6], $0xF7A  }
0x23: {  	s9 =	sor.u32 $0xD0000000, s2;
	s6 =	simm.s32 $0x108;
	_ =	swait.ge @!p0 [sflag:s8], $0x0  }
0x24: {  	s3 =	sadd.s32 $0x88, s3;
	s6 =	simm.s32 @!p1 $0x1082;
	[sflag:s4] =	ssyncset.s32 $0xFFFFF086  }
0x25: {  	[simem:s6], [sflag:s4] =	dma.local [hbm:s3], $0xF7A  }
0x26: {  	[smem:$0x3F97] =	sst s1;
	(tag) =	ssettag s2;
	_ =	strace s9  }
0x27: {  	s1 =	sld [smem:$0x3FA7]  }
0x28: {  	s2 =	sld [smem:$0x3FA8]  }
0x29: {  	s4 =	sld [smem:$0x3FAA]  }
0x2a: {  	p0 =	seq.s32 s5, $0x0;
	s5 =	sld [smem:$0x3FAB]  }
0x2b: {  	s6 =	sld [smem:$0x3FAC]  }
0x2c: {  	s7 =	sld [smem:$0x3FAD]  }
0x2d: {  	s3 =	simm.s32 $0x108;
	s8 =	sld [smem:$0x3FAE]  }
0x2e: {  	s3 =	simm.s32 @!p0 $0x1082;
	s9 =	sld [smem:$0x3FAF]  }
0x2f: {  	lr =	sadd.s32 s0, s3;
	s0 =	sld [smem:$0x3FA6]  }
0x30: {  	s3 =	sld [smem:$0x3FA9]  }
0x31: {  	[smem:$0x3FB2] =	sst s10  }
0x32: {  	s10 =	sld [smem:$0x3FB0];
	_ =	sdelay $0x3  }
0x33: {  	p0 =	seq.s32 s10, $0x1;
	s10 =	sld [smem:$0x3FB2];
	_ =	sdelay $0x3  }
0x34: {  	[smem:$0x3FB2] =	sst s10  }
0x35: {  	s10 =	sld [smem:$0x3FB1];
	_ =	sdelay $0x3  }
0x36: {  	p1 =	seq.s32 s10, $0x1;
	s10 =	sld [smem:$0x3FB2];
	_ =	sdelay $0x3  }
0x37: {  	[smem:$0x3FB2] =	sst s10  }
0x38: {  	s10 =	sld [smem:$0x3FB3]  }
0x39: {  	_ = 	snop;
	(pc) =	sbr.ind lr, $3  }
0x3a: {  	_ = 	snop  }
0x3b: {  	_ = 	snop  }
0x3c: {  	p2 =	seq.s32 s10, $0x1;
	s10 =	sld [smem:$0x3FB2]  }
0x3d: {  	_ =	shalt  }
0x3e: {  	_ =	shalt  }
0x3f: {  	_ =	shalt  }
0x40: {  	_ =	shalt  }
0x41: {  	_ =	shalt  }
0x42: {  	_ =	shalt  }
0x43: {  	_ =	shalt  }
0x44: {  	_ =	shalt  }
0x45: {  	_ =	shalt  }
0x46: {  	_ =	shalt  }
0x47: {  	_ =	shalt  }
0x48: {  	_ =	shalt  }
0x49: {  	_ =	shalt  }
0x4a: {  	_ =	shalt  }
0x4b: {  	_ =	shalt  }
0x4c: {  	_ =	shalt  }
0x4d: {  	_ =	shalt  }
0x4e: {  	_ =	shalt  }
0x4f: {  	_ =	shalt  }
0x50: {  	_ =	shalt  }
0x51: {  	_ =	shalt  }
0x52: {  	_ =	shalt  }
0x53: {  	_ =	shalt  }
0x54: {  	_ =	shalt  }
0x55: {  	_ =	shalt  }
0x56: {  	_ =	shalt  }
0x57: {  	_ =	shalt  }
0x58: {  	_ =	shalt  }
0x59: {  	_ =	shalt  }
0x5a: {  	_ =	shalt  }
0x5b: {  	_ =	shalt  }
0x5c: {  	_ =	shalt  }
0x5d: {  	_ =	shalt  }
0x5e: {  	_ =	shalt  }
0x5f: {  	_ =	shalt  }
0x60: {  	_ =	shalt  }
0x61: {  	_ =	shalt  }
0x62: {  	_ =	shalt  }
0x63: {  	_ =	shalt  }
0x64: {  	_ =	shalt  }
0x65: {  	_ =	shalt  }
0x66: {  	_ =	shalt  }
0x67: {  	_ =	shalt  }
0x68: {  	_ =	shalt  }
0x69: {  	_ =	shalt  }
0x6a: {  	_ =	shalt  }
0x6b: {  	_ =	shalt  }
0x6c: {  	_ =	shalt  }
0x6d: {  	_ =	shalt  }
0x6e: {  	_ =	shalt  }
0x6f: {  	_ =	shalt  }
0x70: {  	_ =	shalt  }
0x71: {  	_ =	shalt  }
0x72: {  	_ =	shalt  }
0x73: {  	_ =	shalt  }
0x74: {  	_ =	shalt  }
0x75: {  	_ =	shalt  }
0x76: {  	_ =	shalt  }
0x77: {  	_ =	shalt  }
0x78: {  	_ =	shalt  }
0x79: {  	_ =	shalt  }
0x7a: {  	_ =	shalt  }
0x7b: {  	_ =	shalt  }
0x7c: {  	_ =	shalt  }
0x7d: {  	_ =	shalt  }
0x7e: {  	_ =	shalt  }
0x7f: {  	_ =	shalt  }
0x80: {  	_ =	shalt  }
0x81: {  	_ =	shalt  }
0x82: {  	_ =	shalt  }
0x83: {  	_ =	shalt  }
0x84: {  	_ =	shalt  }
0x85: {  	_ =	shalt  }
0x86: {  	_ =	shalt  }
0x87: {  	_ =	shalt  }
.Lfunc_end0:
.L_simem_size_0:
called_computation.3_lowered:
.L_overlay_start_0:
0x88: {  	s2 =	sld [smem:$0x3FD9]  }
0x89: {  	s3 =	sld [smem:$0x3FFE];
	_ =	sdelay $0x1  }
0x8a: {  	s1 =	srdreg.scid  }
0x8b: {  	s0 =	sand.u32 $0x1, s1  }
0x8c: {  	s16 =	sshll.u32 s0, $0xA;
	s2 =	sadd.s32 s3, s2  }
0x8d: {  	s2 =	sadd.s32 s2, s16  }
0x8e: {  	[smem:$0x3FBE] =	sst s2  }
0x8f: {  	_ = 	snop  }
0x90: {  	(tm) =	ssettm $0x1  }
0x91: {  	s17 =	sld [smem:$0x3FFB];
	_ =	sdelay $0x3  }
0x92: {  	_ =	strace s17  }
0x93: {  	s2 =	sld [smem:$0x3FFC];
	_ =	sdelay $0x3  }
0x94: {  	_ =	strace s2  }
0x95: {  	s2 =	sld [smem:$0x3FFD];
	_ =	sdelay $0x3  }
0x96: {  	_ =	strace s2  }
0x97: {  	_ =	strace $0x8FFFFFFF  }
0x98: {  	s18 =	sld [smem:$0x3FDB];
	_ =	sdelay $0x1  }
0x99: {  	s19 =	simm.s32 $_scs_section_size  }
0x9a: {  	s4 =	simm.s32 $_size__tile_overlayer_lowered;
	s5 =	simm.s32 $_tile_overlayer_lowered  }
0x9b: {  	s22 =	simm.s32 $0x1BFF;
	s21 =	sshll.u32 s5, $0x1;
	s2 =	sadd.s32 s19, s18  }
0x9c: {  	s6 =	simm.s32 $0x0;
	s20 =	sshll.u32 s4, $0x1;
	s4 =	sadd.s32 s21, s2  }
0x9d: {  	[timem:s6], [sflag:s22] =	dma.local [hbm:s4], s20  }
0x9e: {  	_ =	swait.ge [sflag:s22], s20  }
0x9f: {  	s3 =	ssub.s32 $0x0, s20;
	[sflag:s22] =	ssyncset.done $0x0  }
0xa0: {  	[sflag:s22] =	ssyncadd.s32 s3;
	_ =	sdelay $0x1  }
0xa1: {  	s23 =	simm.s32 $0x1B8B  }
0xa2: {  	_ =	swait.ge [sflag:s23], $0x1  }
0xa3: {  	[sflag:s23] =	ssyncset.done $0x0  }
0xa4: {  	s25 =	simm.s32 $0x1B8E;
	s24 =	sld [smem:$0x3FFE];
	[sflag:s23] =	ssyncadd.s32 $0xFFFFFFFF  }
0xa5: {  	s26 =	simm.s32 $execute0_lowered;
	[smem:$0x3FD2] =	sst s25  }
0xa6: {  	s4 =	sshll.u32 s26, $0x1;
	_ =	strace $0x8000004F;
	[dreg:$0x1] =	wrdreg $0xFFFFFFFF  }
0xa7: {  	s28 =	simm.s32 $_size_execute0_lowered;
	s2 =	sadd.s32 s2, s4;
	[dreg:$0x0] =	wrdreg $0x0  }
0xa8: {  	s4 =	sshll.u32 s28, $0x1;
	[dreg:$0x2] =	wrdreg s2  }
0xa9: {  	[dreg:$0x3] =	wrdreg s4  }
0xaa: {  	[dreg:$0x4] =	wrdreg $0xC0  }
0xab: {  	_ =	task [dreg:s6], $0x5FFFF  }
0xac: {  	[dreg:$0x1] =	wrdreg $0xFFFFFFFF  }
0xad: {  	[dreg:$0x0] =	wrdreg $0x60  }
0xae: {  	[dreg:$0x2] =	wrdreg s24  }
0xaf: {  	[dreg:$0x3] =	wrdreg $0x2A000  }
0xb0: {  	[dreg:$0x4] =	wrdreg $0x9  }
0xb1: {  	_ =	task.clear_ibuf [dreg:s6], $0x5FFFF;
	_ =	strace $0x9000004F  }
0xb2: {  	s29 =	simm.s32 $0x9;
	_ =	strace $0x80000051  }
0xb3: {  	_ =	swait.ge [sflag:s29], $0x1  }
0xb4: {  	[sflag:s29] =	ssyncadd.s32 $0xFFFFFFFF  }
0xb5: {  	_ =	strace $0x90000051  }
0xb6: {  	_ =	sfence  }
0xb7: {  	s30 =	sld [smem:$0x0];
	_ =	sdelay $0x2  }
0xb8: {  	s31 =	sshll.u32 s1, $0xD;
	s1 =	sshrl.u32 s1, $0x2  }
0xb9: {  	s3 =	sand.u32 $0x4000, s31;
	s1 =	sadd.s32 s1, s30  }
0xba: {  	s0 =	sor.u32 s3, s0;
	s1 =	sshll.u32 s1, $0x11  }
0xbb: {  	s0 =	sor.u32 s1, s0  }
0xbc: {  	s0 =	sadd.s32 $0x8F2B, s0  }
0xbd: {  	[sflag:s0] =	ssyncadd.remote.s32 $0x1  }
0xbe: {  	_ =	sfence.sel $0xFFFF  }
0xbf: {  	[dreg:$0x0] =	wrdreg $0xFFFFFFFF;
	(pc) =	sbr.abs _section_cstart, $3  }
0xc0: {  	[dreg:$0x1] =	wrdreg $0xFFFFFFFF  }
0xc1: {  	_ =	task.clear_ibuf [dreg:s6], $0x2FFFF;
	_ =	strace $0x9FFFFFFF  }
0xc2: {  	(tm) =	ssettm $0x7FFFFFFF  }
0xc3: {  	_ =	shalt  }
tec
execute0_lowered:
.L_overlay_start_1:
0x0: {  	(tag) =	ssettag $0x1  }
0x1: {  	s8 =	rddreg [dreg:$0x0]  }
0x2: {  	s1 =	rddreg [dreg:$0x1];
	s3 =	simm.s32 $0x0  }
0x3: {  	s4 =	srdreg.scid;
	s0 =	stileid.u32;
	s18 =	simm.s32 $0x80  }
0x4: {  	s19 =	simm.s32 $0x28;
	s20 =	simm.s32 $0x200;
	s21 =	simm.s32 $0x100  }
0x5: {  	s22 =	simm.s32 $0x180;
	s23 =	simm.s32 $0x1600;
	[smem:$0x7FF] =	sst s3  }
0x6: {  	s9 =	sand.u32 $0x1, s4;
	s10 =	smul.u32 $0x2780, s0;
	s24 =	sshll.u32 s0, $0x1  }
0x7: {  	s4 =	sadd.s32 $0x5EC00, s8;
	s5 =	sadd.s32 $0x59C00, s8;
	s13 =	smul.u32 $0x4F000, s0  }
0x8: {  	s7 =	sadd.s32 $0x8400, s8;
	s14 =	smul.u32 $0x2760, s0;
	s26 =	sshll.u32 s0, $0x6  }
0x9: {  	_ =	strace $0x80000050;
	s11 =	smul.u32 $0x27800, s9;
	s6 =	sor.u32 s9, s24  }
0xa: {  	s25 =	ssub.s32 $0x2, s9;
	s9 =	smul.u32 $0x13B0, s9;
	s24 =	simm.s32 $0x1  }
0xb: {  	s12 =	smul.u32 $0x13B0, s6;
	s6 =	sadd.s32 $0x3400, s8;
	s15 =	sshrl.u32 s25, $0x1  }
0xc: {  	s13 =	sshrl.u32 s13, $0x2;
	s10 =	sadd.s32 s10, s11;
	s15 =	ssub.s32 s25, s15  }
0xd: {  	s17 =	sadd.s32 s13, s1;
	s29 =	sadd.s32 s9, s14;
	s25 =	simm.s32 $0x2  }
0xe: {  	s16 =	sadd.s32 s10, s8;
	s28 =	sshrl.u32 s12, $0x3;
	s8 =	sor.u32 $0x1C03, s26  }
0xf: {  	s30 =	sadd.s32 $0x28, s29;
	s12 =	smax.u32 s15, $0x1;
	s13 =	sadd.s32 $0x50, s29  }
0x10: {  	s26 =	simm.s32 $0x0;
	s9 =	sadd.s32 s5, s28;
	s10 =	sadd.s32 s6, s28  }
0x11: {  	s11 =	sadd.s32 $0x85E00, s16;
	s31 =	sshrl.u32 s30, $0x3;
	s16 =	sshrl.u32 s17, $0x3  }
0x12: {  	s17 =	simm.s32 $0x3;
	s14 =	sadd.s32 s31, s6;
	s15 =	sadd.s32 s31, s5  }
.LBB2_1:
0x13: {  	[spmem:s16], [sflag:s8] =	dma.local [hbm:s7], $0x2780  }
0x14: {  	_ =	swait.ge [sflag:s17], $0x2780  }
0x15: {  	[sflag:s17] =	ssyncset.done $0x0  }
0x16: {  	[sflag:s17] =	ssyncadd.s32 $0xFFFFD880  }
0x17: {  	[bflag:$0x0] =	sbarrier.arrive $0xFFFF  }
0x18: {  	[tilespmem:s3], [sflag:$0x3] =	stream.linear.gather [hbm4b:s9+s3], $0x28, $0x38;
	[tilespmem:$0x16600] =	vst v63  }
0x19: {  	_ =	swait.ge [sflag:s17], $0x28  }
0x1a: {  	[sflag:s17] =	ssyncset.done $0x0  }
0x1b: {  	[sflag:s17] =	ssyncadd.s32 $0xFFFFFFD8  }
0x1c: {  	[tilespmem:s18], [sflag:$0x3] =	stream.linear.gather [hbm4b:s10+s3], $0x28, $0x38;
	[tilespmem:$0x16600] =	vst v63  }
0x1d: {  	_ =	swait.ge [sflag:s17], $0x28  }
0x1e: {  	[sflag:s17] =	ssyncset.done $0x0  }
0x1f: {  	[sflag:s17] =	ssyncadd.s32 $0xFFFFFFD8  }
0x20: {  	[tilespmem:s20], [sflag:$0x1] =	stream.indirect.gather [hbm4b:s4+s19], $0x80, s3, s19, $0xb8;
	[tilespmem:$0x16600] =	vst v63  }
0x21: {  	s28 =	sadd.s32 $0x0, s15  }
0x22: {  	[tilespmem:s21], [sflag:$0x3] =	stream.linear.gather [hbm4b:s28+s3], $0x28, $0x38;
	[tilespmem:$0x16600] =	vst v63  }
0x23: {  	_ =	swait.ge [sflag:s17], $0x28  }
0x24: {  	[sflag:s17] =	ssyncset.done $0x0  }
0x25: {  	s28 =	sadd.s32 $0x0, s14;
	[sflag:s17] =	ssyncadd.s32 $0xFFFFFFD8  }
0x26: {  	[tilespmem:s22], [sflag:$0x3] =	stream.linear.gather [hbm4b:s28+s3], $0x28, $0x38;
	[tilespmem:$0x16600] =	vst v63  }
0x27: {  	_ =	swait.ge [sflag:s17], $0x28  }
0x28: {  	[sflag:s17] =	ssyncset.done $0x0  }
0x29: {  	[sflag:s17] =	ssyncadd.s32 $0xFFFFFFD8  }
0x2a: {  	[tilespmem:s23], [sflag:$0x2] =	stream.indirect.gather [hbm4b:s4+s19], $0x80, s21, s19, $0xb8;
	[tilespmem:$0x16600] =	vst v63  }
0x2b: {  	_ =	swait.ge [sflag:s24], $0x1400  }
0x2c: {  	[sflag:s24] =	ssyncset.done $0x0  }
0x2d: {  	[sflag:s24] =	ssyncadd.s32 $0xFFFFEC00  }
0x2e: {  	[spmem:s1] =	stream.indirect.scatter.add.f32 [tilespmem:s20], [sflag:$0x3], $0x80, s18, s19, $0xb8;
	[tilespmem:$0x16600] =	vst v63  }
0x2f: {  	_ =	swait.ge [sflag:s17], $0x1400  }
0x30: {  	s28 =	sshrl.u32 s13, $0x3;
	[sflag:s17] =	ssyncset.done $0x0  }
0x31: {  	s29 =	sadd.s32 s5, s28;
	[sflag:s17] =	ssyncadd.s32 $0xFFFFEC00  }
0x32: {  	[tilespmem:s3], [sflag:$0x3] =	stream.linear.gather [hbm4b:s29+s3], $0x28, $0x38;
	[tilespmem:$0x16600] =	vst v63  }
0x33: {  	_ =	swait.ge [sflag:s17], $0x28  }
0x34: {  	[sflag:s17] =	ssyncset.done $0x0  }
0x35: {  	s28 =	sadd.s32 s6, s28;
	[sflag:s17] =	ssyncadd.s32 $0xFFFFFFD8  }
0x36: {  	[tilespmem:s18], [sflag:$0x3] =	stream.linear.gather [hbm4b:s28+s3], $0x28, $0x38;
	[tilespmem:$0x16600] =	vst v63  }
0x37: {  	_ =	swait.ge [sflag:s17], $0x28  }
0x38: {  	[sflag:s17] =	ssyncset.done $0x0  }
0x39: {  	[sflag:s17] =	ssyncadd.s32 $0xFFFFFFD8  }
0x3a: {  	[tilespmem:s20], [sflag:$0x1] =	stream.indirect.gather [hbm4b:s4+s19], $0x80, s3, s19, $0xb8;
	[tilespmem:$0x16600] =	vst v63  }
0x3b: {  	_ =	swait.ge [sflag:s25], $0x1400  }
0x3c: {  	[sflag:s25] =	ssyncset.done $0x0  }
0x3d: {  	[sflag:s25] =	ssyncadd.s32 $0xFFFFEC00  }
0x3e: {  	[spmem:s1] =	stream.indirect.scatter.add.f32 [tilespmem:s23], [sflag:$0x3], $0x80, s22, s19, $0xb8;
	[tilespmem:$0x16600] =	vst v63  }
0x3f: {  	s31 =	simm.s32 $0x14;
	_ =	swait.ge [sflag:s17], $0x1400  }
0x40: {  	s29 =	simm.s32 $0xA;
	s28 =	sadd.s32 $0x50, s13;
	[sflag:s17] =	ssyncset.done $0x0  }
.LBB2_2:
0x41: {  	s0 =	sadd.s32 s29, s15  }
0x42: {  	[sflag:s17] =	ssyncadd.s32 $0xFFFFEC00;
	s2 =	smov.u32 s31;
	s30 =	sadd.s32 $0xA, s31  }
0x43: {  	[tilespmem:s21], [sflag:$0x3] =	stream.linear.gather [hbm4b:s0+s3], $0x28, $0x38;
	[tilespmem:$0x16600] =	vst v63  }
0x44: {  	p0 =	sne.s32 s31, $0x26C;
	_ =	swait.ge [sflag:s17], $0x28  }
0x45: {  	[sflag:s17] =	ssyncset.done $0x0  }
0x46: {  	s0 =	sadd.s32 s29, s14;
	s29 =	smov.u32 s2;
	[sflag:s17] =	ssyncadd.s32 $0xFFFFFFD8  }
0x47: {  	[tilespmem:s22], [sflag:$0x3] =	stream.linear.gather [hbm4b:s0+s3], $0x28, $0x38;
	[tilespmem:$0x16600] =	vst v63  }
0x48: {  	_ =	swait.ge [sflag:s17], $0x28  }
0x49: {  	[sflag:s17] =	ssyncset.done $0x0  }
0x4a: {  	[sflag:s17] =	ssyncadd.s32 $0xFFFFFFD8  }
0x4b: {  	[tilespmem:s23], [sflag:$0x2] =	stream.indirect.gather [hbm4b:s4+s19], $0x80, s21, s19, $0xb8;
	[tilespmem:$0x16600] =	vst v63  }
0x4c: {  	_ =	swait.ge [sflag:s24], $0x1400  }
0x4d: {  	[sflag:s24] =	ssyncset.done $0x0  }
0x4e: {  	[sflag:s24] =	ssyncadd.s32 $0xFFFFEC00  }
0x4f: {  	[spmem:s1] =	stream.indirect.scatter.add.f32 [tilespmem:s20], [sflag:$0x3], $0x80, s18, s19, $0xb8;
	[tilespmem:$0x16600] =	vst v63  }
0x50: {  	_ =	swait.ge [sflag:s17], $0x1400  }
0x51: {  	s0 =	sshrl.u32 s28, $0x3;
	[sflag:s17] =	ssyncset.done $0x0  }
0x52: {  	s2 =	sadd.s32 s5, s0;
	[sflag:s17] =	ssyncadd.s32 $0xFFFFEC00  }
0x53: {  	[tilespmem:s3], [sflag:$0x3] =	stream.linear.gather [hbm4b:s2+s3], $0x28, $0x38;
	[tilespmem:$0x16600] =	vst v63  }
0x54: {  	_ =	swait.ge [sflag:s17], $0x28  }
0x55: {  	[sflag:s17] =	ssyncset.done $0x0  }
0x56: {  	s0 =	sadd.s32 s6, s0;
	[sflag:s17] =	ssyncadd.s32 $0xFFFFFFD8  }
0x57: {  	[tilespmem:s18], [sflag:$0x3] =	stream.linear.gather [hbm4b:s0+s3], $0x28, $0x38;
	[tilespmem:$0x16600] =	vst v63  }
0x58: {  	_ =	swait.ge [sflag:s17], $0x28  }
0x59: {  	[sflag:s17] =	ssyncset.done $0x0  }
0x5a: {  	[sflag:s17] =	ssyncadd.s32 $0xFFFFFFD8  }
0x5b: {  	[tilespmem:s20], [sflag:$0x1] =	stream.indirect.gather [hbm4b:s4+s19], $0x80, s3, s19, $0xb8;
	[tilespmem:$0x16600] =	vst v63  }
0x5c: {  	_ =	swait.ge [sflag:s25], $0x1400  }
.Ltmp0:
0x5d: {  	[sflag:s25] =	ssyncset.done $0x0;
	(pc) =	sbr.rel @p0 .LBB2_2-.Ltmp0, $4  }
0x5e: {  	[sflag:s25] =	ssyncadd.s32 $0xFFFFEC00  }
0x5f: {  	[spmem:s1] =	stream.indirect.scatter.add.f32 [tilespmem:s23], [sflag:$0x3], $0x80, s22, s19, $0xb8;
	[tilespmem:$0x16600] =	vst v63  }
0x60: {  	_ =	swait.ge [sflag:s17], $0x1400  }
0x61: {  	s31 =	smov.u32 s30;
	s28 =	sadd.s32 $0x50, s28;
	[sflag:s17] =	ssyncset.done $0x0  }
0x62: {  	s0 =	sadd.s32 s29, s15;
	[sflag:s17] =	ssyncadd.s32 $0xFFFFEC00  }
0x63: {  	[tilespmem:s21], [sflag:$0x3] =	stream.linear.gather [hbm4b:s0+s3], $0x28, $0x38;
	[tilespmem:$0x16600] =	vst v63  }
0x64: {  	_ =	swait.ge [sflag:s17], $0x28  }
0x65: {  	[sflag:s17] =	ssyncset.done $0x0  }
0x66: {  	s30 =	sadd.s32 s29, s14;
	[sflag:s17] =	ssyncadd.s32 $0xFFFFFFD8  }
0x67: {  	[tilespmem:s22], [sflag:$0x3] =	stream.linear.gather [hbm4b:s30+s3], $0x28, $0x38;
	[tilespmem:$0x16600] =	vst v63  }
0x68: {  	_ =	swait.ge [sflag:s17], $0x28  }
0x69: {  	[sflag:s17] =	ssyncset.done $0x0  }
0x6a: {  	[sflag:s17] =	ssyncadd.s32 $0xFFFFFFD8  }
0x6b: {  	[tilespmem:s23], [sflag:$0x2] =	stream.indirect.gather [hbm4b:s4+s19], $0x80, s21, s19, $0xb8;
	[tilespmem:$0x16600] =	vst v63  }
0x6c: {  	_ =	swait.ge [sflag:s24], $0x1400  }
0x6d: {  	[sflag:s24] =	ssyncset.done $0x0  }
0x6e: {  	[sflag:s24] =	ssyncadd.s32 $0xFFFFEC00  }
0x6f: {  	[spmem:s1] =	stream.indirect.scatter.add.f32 [tilespmem:s20], [sflag:$0x3], $0x80, s18, s19, $0xb8;
	[tilespmem:$0x16600] =	vst v63  }
0x70: {  	_ =	swait.ge [sflag:s17], $0x1400  }
0x71: {  	s31 =	sshrl.u32 s28, $0x3;
	[sflag:s17] =	ssyncset.done $0x0  }
0x72: {  	s2 =	sadd.s32 s5, s31;
	[sflag:s17] =	ssyncadd.s32 $0xFFFFEC00  }
0x73: {  	[tilespmem:s3], [sflag:$0x3] =	stream.linear.gather [hbm4b:s2+s3], $0x28, $0x38;
	[tilespmem:$0x16600] =	vst v63  }
0x74: {  	_ =	swait.ge [sflag:s17], $0x28  }
0x75: {  	[sflag:s17] =	ssyncset.done $0x0  }
0x76: {  	s0 =	sadd.s32 s6, s31;
	[sflag:s17] =	ssyncadd.s32 $0xFFFFFFD8  }
0x77: {  	[tilespmem:s18], [sflag:$0x3] =	stream.linear.gather [hbm4b:s0+s3], $0x28, $0x38;
	[tilespmem:$0x16600] =	vst v63  }
0x78: {  	_ =	swait.ge [sflag:s17], $0x28  }
0x79: {  	[sflag:s17] =	ssyncset.done $0x0  }
0x7a: {  	[sflag:s17] =	ssyncadd.s32 $0xFFFFFFD8  }
0x7b: {  	[tilespmem:s20], [sflag:$0x1] =	stream.indirect.gather [hbm4b:s4+s19], $0x80, s3, s19, $0xb8;
	[tilespmem:$0x16600] =	vst v63  }
0x7c: {  	_ =	swait.ge [sflag:s25], $0x1400  }
0x7d: {  	[sflag:s25] =	ssyncset.done $0x0  }
0x7e: {  	[sflag:s25] =	ssyncadd.s32 $0xFFFFEC00  }
0x7f: {  	[spmem:s1] =	stream.indirect.scatter.add.f32 [tilespmem:s23], [sflag:$0x3], $0x80, s22, s19, $0xb8;
	[tilespmem:$0x16600] =	vst v63  }
0x80: {  	_ =	swait.ge [sflag:s17], $0x1400  }
0x81: {  	[sflag:s17] =	ssyncset.done $0x0  }
0x82: {  	[sflag:s17] =	ssyncadd.s32 $0xFFFFEC00  }
0x83: {  	_ =	swait.ge [sflag:s24], $0x1400  }
0x84: {  	s26 =	sadd.s32 $0x1, s26;
	[sflag:s24] =	ssyncset.done $0x0  }
0x85: {  	p0 =	sne.s32 s26, s12;
	[sflag:s24] =	ssyncadd.s32 $0xFFFFEC00  }
.Ltmp1:
0x86: {  	[bflag:$0x0] =	sbarrier.arrive $0xFFFF;
	(pc) =	sbr.rel @p0 .LBB2_1-.Ltmp1, $4  }
0x87: {  	[hbm:s11], [sflag:s8] =	dma.local [spmem:s16], $0x2780  }
0x88: {  	_ =	swait.ge [sflag:s17], $0x2780  }
0x89: {  	[sflag:s17] =	ssyncset.done $0x0  }
0x8a: {  	[sflag:s17] =	ssyncadd.s32 $0xFFFFD880  }
0x8b: {  	_ =	sfence.sel $0x180000  }
0x8c: {  	[bflag:$0x0] =	sbarrier.arrive $0xFFFF  }
0x8d: {  	_ =	strace $0x90000050  }
0x8e: {  	s0 =	stileid.u32;
	[bflag:$0x2] =	sbarrier.arrive $0xFFFF  }
0x8f: {  	p0 =	sne.s32 s0, $0x0;
	s0 =	rddreg [dreg:$0x2]  }
0x90: {  	s0 =	sadd.s32 @!p0 $0x100000, s0  }
0x91: {  	[sflag:s0] =	ssyncadd.tile.s32 @!p0 $0x1;
	_ =	shalt  }
.Lfunc_end2:
_tile_overlayer_lowered:
.L_overlay_start_2:
0x92: {  	(tag) =	ssettag $0x2  }
0x93: {  	s0 =	rddreg [dreg:$0x0];
	s2 =	stileid.u32  }
0x94: {  	s1 =	rddreg [dreg:$0x1];
	p0 =	sne.s32 s2, $0x0  }
0x95: {  	s3 =	rddreg [dreg:$0x2];
	[bflag:$0x3] =	sbarrier.arrive $0xFFFF;
	s2 =	simm.s32 @!p0 $0x1C03  }
0x96: {  	[timem:s3], [sflag:s2] =	dma.local @!p0 [hbm:s0], s1  }
0x97: {  	s0 =	simm.s32 @!p0 $0x3  }
0x98: {  	_ =	swait.ge @!p0 [sflag:s0], s1  }
0x99: {  	s1 =	ssub.s32 @!p0 $0x0, s1;
	[sflag:s0] =	ssyncset.done @!p0 $0x0  }
0x9a: {  	[sflag:s0] =	ssyncadd.s32 @!p0 s1  }
0x9b: {  	[bflag:$0x3] =	sbarrier.arrive $0xFFFF  }
0x9c: {  	_ =	shalt  }

</sc_bundles>
